<compile_context>
chip_gen: v7x
topology: tpu7x:2x2x1
jax: 0.10.2.dev20260603
libtpu: 0.0.44.dev20260713+nightly
codegen_flags: <defaults>
</compile_context>

<pallas_src>
import functools

import jax
import jax.numpy as jnp
import numpy as np
from jax import lax
from jax.experimental import pallas as pl
from jax.experimental.pallas import tpu as pltpu
from jax.experimental.pallas import tpu_sc as plsc

DROP_P = 0.1
KEY_LO = 42
KEY_HI = 0
T = 2048

N_WORKERS = 32
ROWS = 8192
RPW = ROWS // N_WORKERS
KCHUNK = 8
NCHUNK = 5


def _np_rotl(x, r):
    return ((x << np.uint32(r)) | (x >> np.uint32(32 - r))).astype(np.uint32)


def _np_dropped_mask():
    i = np.arange(ROWS, dtype=np.uint32)
    k0, k1 = np.uint32(KEY_HI), np.uint32(KEY_LO)
    ks = [k0, k1, np.uint32(k0 ^ k1 ^ np.uint32(0x1BD11BDA))]
    x0 = np.zeros_like(i) + ks[0]
    x1 = (i + ks[1]).astype(np.uint32)
    rotations = [(13, 15, 26, 6), (17, 29, 16, 24)]
    for rnd in range(5):
        for r in rotations[rnd % 2]:
            x0 = (x0 + x1).astype(np.uint32)
            x1 = _np_rotl(x1, r)
            x1 = (x1 ^ x0).astype(np.uint32)
        x0 = (x0 + ks[(rnd + 1) % 3]).astype(np.uint32)
        x1 = (x1 + ks[(rnd + 2) % 3] + np.uint32(rnd + 1)).astype(np.uint32)
    bits = x0 ^ x1
    u = ((bits >> np.uint32(9)) | np.uint32(0x3F800000)).view(np.float32)
    u = u - np.float32(1.0)
    drop = u < np.float32(DROP_P)
    drop[i % np.uint32(T) == 0] = False
    return drop


def _dropped_table():
    drop = _np_dropped_mask()
    tbl = np.zeros((N_WORKERS, NCHUNK * KCHUNK), dtype=np.int32)
    for w in range(N_WORKERS):
        ids = np.nonzero(drop[w * RPW:(w + 1) * RPW])[0] + w * RPW
        assert 1 <= len(ids) <= NCHUNK * KCHUNK
        pad = np.full(NCHUNK * KCHUNK - len(ids), ids[0], dtype=np.int32)
        tbl[w] = np.concatenate([ids.astype(np.int32), pad])
    return tbl.reshape(N_WORKERS, NCHUNK, KCHUNK)


CH = 8
NBUF = 2


def _sc_body(x_hbm, tbl_hbm, out_hbm, idx_v, zero_v, buf_v,
             sem_in0, sem_in1, sem_out0, sem_out1):
    c = lax.axis_index("c")
    s = lax.axis_index("s")
    wid = s * 2 + c
    base = wid * RPW
    sems_in = (sem_in0, sem_in1)
    sems_out = (sem_out0, sem_out1)

    def rows_at(i):
        return pl.ds(base + i * CH, CH)

    def obody(o, carry):
        for b in range(NBUF):
            i = o * NBUF + b

            @pl.when(o > 0)
            def _():
                pltpu.make_async_copy(
                    buf_v.at[b], out_hbm.at[rows_at(i)], sems_out[b]
                ).wait()

            pltpu.make_async_copy(
                x_hbm.at[rows_at(i)], buf_v.at[b], sems_in[b]
            ).start()
        for b in range(NBUF):
            i = o * NBUF + b
            pltpu.make_async_copy(
                x_hbm.at[rows_at(i)], buf_v.at[b], sems_in[b]
            ).wait()
            pltpu.make_async_copy(
                buf_v.at[b], out_hbm.at[rows_at(i)], sems_out[b]
            ).start()
        return carry

    z = jnp.zeros((16,), jnp.float32)

    def zbody(j, carry):
        for r in range(KCHUNK):
            zero_v[r, pl.ds(j * 16, 16)] = z
        return carry

    lax.fori_loop(0, zero_v.shape[1] // 16, zbody, 0)
    pltpu.sync_copy(tbl_hbm.at[wid], idx_v)

    lax.fori_loop(0, RPW // (CH * NBUF), obody, 0)
    for b in range(NBUF):
        pltpu.make_async_copy(
            buf_v.at[b], out_hbm.at[rows_at(b)], sems_out[b]
        ).wait()

    for j in range(NCHUNK):
        pltpu.sync_copy(zero_v, out_hbm.at[idx_v.at[j]])


def kernel(x):
    B, t, F = x.shape
    x2 = x.reshape(ROWS, F)
    tbl = jnp.asarray(_dropped_table())
    mesh = plsc.VectorSubcoreMesh(core_axis_name="c", subcore_axis_name="s")
    sc_k = functools.partial(
        pl.kernel,
        mesh=mesh,
        out_type=jax.ShapeDtypeStruct((ROWS, F), jnp.float32),
        scratch_types=[
            pltpu.VMEM((NCHUNK, KCHUNK), jnp.int32),
            pltpu.VMEM((KCHUNK, F), jnp.float32),
            pltpu.VMEM((NBUF, CH, F), jnp.float32),
            pltpu.SemaphoreType.DMA,
            pltpu.SemaphoreType.DMA,
            pltpu.SemaphoreType.DMA,
            pltpu.SemaphoreType.DMA,
        ],
    )(_sc_body)
    out = sc_k(x2, tbl)
    return out.reshape(B, t, F)

# --- scband reference (transcript-rebuilt; emitter-appended) ---
"""Pipeline reference for scband-word-dropout-687194767919 (READ-ONLY COPY).

The authoritative reference and input builder live on the scoring server;
editing this copy changes nothing except your own understanding.
"""

import jax, jax.numpy as jnp
import numpy as np

DROPOUT_RATE = 0.1
MASK_VALUE = 0.0
MASK_FIRST_TIMESTEP = False


def setup_inputs(seed: int = 0) -> dict:
    key = jax.random.key(seed)
    x = jax.random.normal(key, (4, 2048, 4096), dtype=jnp.float32)
    return {"x": x}


def reference(x):
    # WordDropout.forward in training mode: drop entire timesteps.
    # mask ~ Bernoulli(dropout_rate) of shape (B, T); mask[:, 0] = mask_first_timestep
    mkey = jax.random.key(42)
    B, T = x.shape[0], x.shape[1]
    mask = jax.random.bernoulli(mkey, DROPOUT_RATE, (B, T))
    mask = mask.at[:, 0].set(MASK_FIRST_TIMESTEP)
    # x[mask, ...] = mask_value  (broadcast mask over trailing feature dims)
    out = jnp.where(mask[:, :, None], jnp.asarray(MASK_VALUE, dtype=x.dtype), x)
    return out

if __name__ == "__main__":
    import jax
    _d = setup_inputs()
    print(jax.jit(kernel)(*tuple(_d.values())))

</pallas_src>

<mosaic_0001>
#map = affine_map<(d0, d1) -> (0, 0)>
#map1 = affine_map<(d0, d1) -> (0, 0, 0)>
module attributes {stable_mosaic.version = 14 : i64} {
  func.func @_sc_body(%arg0: i32, %arg1: i32, %arg2: memref<8192x4096xf32, #tpu.memory_space<hbm>>, %arg3: memref<32x5x8xi32, #tpu.memory_space<hbm>>, %arg4: memref<8192x4096xf32, #tpu.memory_space<hbm>>, %arg5: memref<5x8xi32, #tpu.memory_space<vmem>>, %arg6: memref<8x4096xf32, #tpu.memory_space<vmem>>, %arg7: memref<2x8x4096xf32, #tpu.memory_space<vmem>>, %arg8: memref<!tpu.dma_semaphore, #tpu.memory_space<semaphore_mem>>, %arg9: memref<!tpu.dma_semaphore, #tpu.memory_space<semaphore_mem>>, %arg10: memref<!tpu.dma_semaphore, #tpu.memory_space<semaphore_mem>>, %arg11: memref<!tpu.dma_semaphore, #tpu.memory_space<semaphore_mem>>) attributes {dimension_semantics = [#tpu.dimension_semantics<core_parallel>, #tpu.dimension_semantics<subcore_parallel>], iteration_bounds = array<i64: 2, 16>, scalar_prefetch = 0 : i64, scratch_operands = 7 : i64, tpu.core_type = #tpu.core_type<sc_vector_subcore>, window_params = [{transform_indices = #map}, {transform_indices = #map1}, {transform_indices = #map}]} {
    %mul3A = arith.constant 2 : i32
    %mul3A_0 = arith.muli %arg1, %mul3A : i32
    %add3A = arith.addi %mul3A_0, %arg0 : i32
    %mul3A_1 = arith.constant 256 : i32
    %mul3A_2 = arith.muli %add3A, %mul3A_1 : i32
    %broadcast_in_dim3A = arith.constant 0.000000e+00 : f32
    %broadcast_in_dim3A_3 = vector.broadcast %broadcast_in_dim3A : f32 to vector<16xf32>
    %scan3A = arith.constant 0 : i32
    %scan3A_4 = arith.constant 0 : i32
    %scan3A_5 = arith.constant 256 : i32
    %scan3A_6 = arith.addi %scan3A_4, %scan3A_5 : i32
    %scan3A_7 = arith.constant 1 : i32
    scf.for %scan3A_48 = %scan3A_4 to %scan3A_6 step %scan3A_7  : i32 {
      %mul3A_49 = arith.constant 16 : i32
      %mul3A_50 = arith.muli %scan3A_48, %mul3A_49 : i32
      %swap3A = arith.constant 0 : i32
      %swap3A_51 = arith.index_cast %swap3A : i32 to index
      %swap3A_52 = arith.index_cast %mul3A_50 : i32 to index
      %swap3A_53 = tpu.vector_load %arg6[%swap3A_51, %swap3A_52] {strides = array<i32>} : memref<8x4096xf32, #tpu.memory_space<vmem>>, vector<1x16xf32>,
      %swap3A_54 = vector.shape_cast %swap3A_53 : vector<1x16xf32> to vector<16xf32>
      %swap3A_55 = vector.shape_cast %broadcast_in_dim3A_3 : vector<16xf32> to vector<1x16xf32>
      tpu.vector_store %arg6[%swap3A_51, %swap3A_52], %swap3A_55 {strides = array<i32>} : memref<8x4096xf32, #tpu.memory_space<vmem>>, vector<1x16xf32>,
      %mul3A_56 = arith.constant 16 : i32
      %mul3A_57 = arith.muli %scan3A_48, %mul3A_56 : i32
      %swap3A_58 = arith.constant 1 : i32
      %swap3A_59 = arith.index_cast %swap3A_58 : i32 to index
      %swap3A_60 = arith.index_cast %mul3A_57 : i32 to index
      %swap3A_61 = tpu.vector_load %arg6[%swap3A_59, %swap3A_60] {strides = array<i32>} : memref<8x4096xf32, #tpu.memory_space<vmem>>, vector<1x16xf32>,
      %swap3A_62 = vector.shape_cast %swap3A_61 : vector<1x16xf32> to vector<16xf32>
      %swap3A_63 = vector.shape_cast %broadcast_in_dim3A_3 : vector<16xf32> to vector<1x16xf32>
      tpu.vector_store %arg6[%swap3A_59, %swap3A_60], %swap3A_63 {strides = array<i32>} : memref<8x4096xf32, #tpu.memory_space<vmem>>, vector<1x16xf32>,
      %mul3A_64 = arith.constant 16 : i32
      %mul3A_65 = arith.muli %scan3A_48, %mul3A_64 : i32
      %swap3A_66 = arith.constant 2 : i32
      %swap3A_67 = arith.index_cast %swap3A_66 : i32 to index
      %swap3A_68 = arith.index_cast %mul3A_65 : i32 to index
      %swap3A_69 = tpu.vector_load %arg6[%swap3A_67, %swap3A_68] {strides = array<i32>} : memref<8x4096xf32, #tpu.memory_space<vmem>>, vector<1x16xf32>,
      %swap3A_70 = vector.shape_cast %swap3A_69 : vector<1x16xf32> to vector<16xf32>
      %swap3A_71 = vector.shape_cast %broadcast_in_dim3A_3 : vector<16xf32> to vector<1x16xf32>
      tpu.vector_store %arg6[%swap3A_67, %swap3A_68], %swap3A_71 {strides = array<i32>} : memref<8x4096xf32, #tpu.memory_space<vmem>>, vector<1x16xf32>,
      %mul3A_72 = arith.constant 16 : i32
      %mul3A_73 = arith.muli %scan3A_48, %mul3A_72 : i32
      %swap3A_74 = arith.constant 3 : i32
      %swap3A_75 = arith.index_cast %swap3A_74 : i32 to index
      %swap3A_76 = arith.index_cast %mul3A_73 : i32 to index
      %swap3A_77 = tpu.vector_load %arg6[%swap3A_75, %swap3A_76] {strides = array<i32>} : memref<8x4096xf32, #tpu.memory_space<vmem>>, vector<1x16xf32>,
      %swap3A_78 = vector.shape_cast %swap3A_77 : vector<1x16xf32> to vector<16xf32>
      %swap3A_79 = vector.shape_cast %broadcast_in_dim3A_3 : vector<16xf32> to vector<1x16xf32>
      tpu.vector_store %arg6[%swap3A_75, %swap3A_76], %swap3A_79 {strides = array<i32>} : memref<8x4096xf32, #tpu.memory_space<vmem>>, vector<1x16xf32>,
      %mul3A_80 = arith.constant 16 : i32
      %mul3A_81 = arith.muli %scan3A_48, %mul3A_80 : i32
      %swap3A_82 = arith.constant 4 : i32
      %swap3A_83 = arith.index_cast %swap3A_82 : i32 to index
      %swap3A_84 = arith.index_cast %mul3A_81 : i32 to index
      %swap3A_85 = tpu.vector_load %arg6[%swap3A_83, %swap3A_84] {strides = array<i32>} : memref<8x4096xf32, #tpu.memory_space<vmem>>, vector<1x16xf32>,
      %swap3A_86 = vector.shape_cast %swap3A_85 : vector<1x16xf32> to vector<16xf32>
      %swap3A_87 = vector.shape_cast %broadcast_in_dim3A_3 : vector<16xf32> to vector<1x16xf32>
      tpu.vector_store %arg6[%swap3A_83, %swap3A_84], %swap3A_87 {strides = array<i32>} : memref<8x4096xf32, #tpu.memory_space<vmem>>, vector<1x16xf32>,
      %mul3A_88 = arith.constant 16 : i32
      %mul3A_89 = arith.muli %scan3A_48, %mul3A_88 : i32
      %swap3A_90 = arith.constant 5 : i32
      %swap3A_91 = arith.index_cast %swap3A_90 : i32 to index
      %swap3A_92 = arith.index_cast %mul3A_89 : i32 to index
      %swap3A_93 = tpu.vector_load %arg6[%swap3A_91, %swap3A_92] {strides = array<i32>} : memref<8x4096xf32, #tpu.memory_space<vmem>>, vector<1x16xf32>,
      %swap3A_94 = vector.shape_cast %swap3A_93 : vector<1x16xf32> to vector<16xf32>
      %swap3A_95 = vector.shape_cast %broadcast_in_dim3A_3 : vector<16xf32> to vector<1x16xf32>
      tpu.vector_store %arg6[%swap3A_91, %swap3A_92], %swap3A_95 {strides = array<i32>} : memref<8x4096xf32, #tpu.memory_space<vmem>>, vector<1x16xf32>,
      %mul3A_96 = arith.constant 16 : i32
      %mul3A_97 = arith.muli %scan3A_48, %mul3A_96 : i32
      %swap3A_98 = arith.constant 6 : i32
      %swap3A_99 = arith.index_cast %swap3A_98 : i32 to index
      %swap3A_100 = arith.index_cast %mul3A_97 : i32 to index
      %swap3A_101 = tpu.vector_load %arg6[%swap3A_99, %swap3A_100] {strides = array<i32>} : memref<8x4096xf32, #tpu.memory_space<vmem>>, vector<1x16xf32>,
      %swap3A_102 = vector.shape_cast %swap3A_101 : vector<1x16xf32> to vector<16xf32>
      %swap3A_103 = vector.shape_cast %broadcast_in_dim3A_3 : vector<16xf32> to vector<1x16xf32>
      tpu.vector_store %arg6[%swap3A_99, %swap3A_100], %swap3A_103 {strides = array<i32>} : memref<8x4096xf32, #tpu.memory_space<vmem>>, vector<1x16xf32>,
      %mul3A_104 = arith.constant 16 : i32
      %mul3A_105 = arith.muli %scan3A_48, %mul3A_104 : i32
      %swap3A_106 = arith.constant 7 : i32
      %swap3A_107 = arith.index_cast %swap3A_106 : i32 to index
      %swap3A_108 = arith.index_cast %mul3A_105 : i32 to index
      %swap3A_109 = tpu.vector_load %arg6[%swap3A_107, %swap3A_108] {strides = array<i32>} : memref<8x4096xf32, #tpu.memory_space<vmem>>, vector<1x16xf32>,
      %swap3A_110 = vector.shape_cast %swap3A_109 : vector<1x16xf32> to vector<16xf32>
      %swap3A_111 = vector.shape_cast %broadcast_in_dim3A_3 : vector<16xf32> to vector<1x16xf32>
      tpu.vector_store %arg6[%swap3A_107, %swap3A_108], %swap3A_111 {strides = array<i32>} : memref<8x4096xf32, #tpu.memory_space<vmem>>, vector<1x16xf32>,
    }
    %scan3A_8 = arith.constant 256 : i32
    "tpu.region"() ({
      %run_scoped3A_48 = tpu.sem_alloc : memref<!tpu.dma_semaphore, #tpu.memory_space<semaphore_mem>>
      %dma_start3A = arith.constant 0 : i32
      %dma_start3A_49 = arith.constant 0 : i32
      %dma_start3A_50 = tpu.memref_slice %arg3[%add3A, %dma_start3A, %dma_start3A_49] : memref<32x5x8xi32, #tpu.memory_space<hbm>> -> memref<1x5x8xi32, #tpu.memory_space<hbm>>
      %dma_start3A_51 = tpu.memref_squeeze %dma_start3A_50 : memref<1x5x8xi32, #tpu.memory_space<hbm>> -> memref<5x8xi32, #tpu.memory_space<hbm>>
      %dma_start3A_52 = arith.constant 0 : i32
      %dma_start3A_53 = arith.constant 0 : i32
      %dma_start3A_54 = tpu.memref_slice %arg3[%add3A, %dma_start3A_52, %dma_start3A_53] : memref<32x5x8xi32, #tpu.memory_space<hbm>> -> memref<1x5x8xi32, #tpu.memory_space<hbm>>
      %dma_start3A_55 = tpu.memref_squeeze %dma_start3A_54 : memref<1x5x8xi32, #tpu.memory_space<hbm>> -> memref<5x8xi32, #tpu.memory_space<hbm>>
      tpu.enqueue_dma source(%dma_start3A_55 : memref<5x8xi32, #tpu.memory_space<hbm>>) target(%arg5 : memref<5x8xi32, #tpu.memory_space<vmem>>) target_semaphore(%run_scoped3A_48 : memref<!tpu.dma_semaphore, #tpu.memory_space<semaphore_mem>>)
      %dma_wait3A_56 = arith.constant 0 : i32
      %dma_wait3A_57 = arith.constant 0 : i32
      %dma_wait3A_58 = tpu.memref_slice %arg3[%add3A, %dma_wait3A_56, %dma_wait3A_57] : memref<32x5x8xi32, #tpu.memory_space<hbm>> -> memref<1x5x8xi32, #tpu.memory_space<hbm>>
      %dma_wait3A_59 = tpu.memref_squeeze %dma_wait3A_58 : memref<1x5x8xi32, #tpu.memory_space<hbm>> -> memref<5x8xi32, #tpu.memory_space<hbm>>
      %dma_wait3A_60 = arith.constant 0 : i32
      %dma_wait3A_61 = arith.constant 0 : i32
      %dma_wait3A_62 = tpu.memref_slice %arg3[%add3A, %dma_wait3A_60, %dma_wait3A_61] : memref<32x5x8xi32, #tpu.memory_space<hbm>> -> memref<1x5x8xi32, #tpu.memory_space<hbm>>
      %dma_wait3A_63 = tpu.memref_squeeze %dma_wait3A_62 : memref<1x5x8xi32, #tpu.memory_space<hbm>> -> memref<5x8xi32, #tpu.memory_space<hbm>>
      tpu.wait_dma2 semaphore(%run_scoped3A_48 : memref<!tpu.dma_semaphore, #tpu.memory_space<semaphore_mem>>) src(%dma_wait3A_63 : memref<5x8xi32, #tpu.memory_space<hbm>>) dst(%arg5 : memref<5x8xi32, #tpu.memory_space<vmem>>)
      tpu.yield
    }) : () -> ()
    %scan3A_9 = arith.constant 0 : i32
    %scan3A_10 = arith.constant 0 : i32
    %scan3A_11 = arith.constant 16 : i32
    %scan3A_12 = arith.addi %scan3A_10, %scan3A_11 : i32
    %scan3A_13 = arith.constant 1 : i32
    scf.for %scan3A_48 = %scan3A_10 to %scan3A_12 step %scan3A_13  : i32 {
      %mul3A_49 = arith.constant 2 : i32
      %mul3A_50 = arith.muli %scan3A_48, %mul3A_49 : i32
      %add3A_51 = arith.constant 0 : i32
      %add3A_52 = arith.addi %mul3A_50, %add3A_51 : i32
      %gt3A = arith.constant 0 : i32
      %gt3A_53 = arith.cmpi sgt, %scan3A_48, %gt3A : i32
      %convert_element_type3A = arith.extui %gt3A_53 : i1 to i32
      %cond3A = arith.constant 0 : i32
      %cond3A_54 = arith.cmpi ne, %convert_element_type3A, %cond3A : i32
      scf.if %cond3A_54 {
        %mul3A_167 = arith.constant 8 : i32
        %mul3A_168 = arith.muli %add3A_52, %mul3A_167 : i32
        %add3A_169 = arith.addi %mul3A_2, %mul3A_168 : i32
        %dma_wait3A_170 = arith.constant 0 : i32
        %dma_wait3A_171 = arith.constant 0 : i32
        %dma_wait3A_172 = arith.constant 0 : i32
        %dma_wait3A_173 = tpu.memref_slice %arg7[%dma_wait3A_170, %dma_wait3A_171, %dma_wait3A_172] : memref<2x8x4096xf32, #tpu.memory_space<vmem>> -> memref<1x8x4096xf32, #tpu.memory_space<vmem>>
        %dma_wait3A_174 = tpu.memref_squeeze %dma_wait3A_173 : memref<1x8x4096xf32, #tpu.memory_space<vmem>> -> memref<8x4096xf32, #tpu.memory_space<vmem>>
        %dma_wait3A_175 = arith.constant 0 : i32
        %dma_wait3A_176 = tpu.memref_slice %arg4[%add3A_169, %dma_wait3A_175] : memref<8192x4096xf32, #tpu.memory_space<hbm>> -> memref<8x4096xf32, #tpu.memory_space<hbm>>
        %dma_wait3A_177 = arith.constant 0 : i32
        %dma_wait3A_178 = tpu.memref_slice %arg4[%add3A_169, %dma_wait3A_177] : memref<8192x4096xf32, #tpu.memory_space<hbm>> -> memref<8x4096xf32, #tpu.memory_space<hbm>>
        %dma_wait3A_179 = arith.constant 0 : i32
        %dma_wait3A_180 = arith.constant 0 : i32
        %dma_wait3A_181 = tpu.memref_slice %arg7[%dma_wait3A_170, %dma_wait3A_179, %dma_wait3A_180] : memref<2x8x4096xf32, #tpu.memory_space<vmem>> -> memref<1x8x4096xf32, #tpu.memory_space<vmem>>
        %dma_wait3A_182 = tpu.memref_squeeze %dma_wait3A_181 : memref<1x8x4096xf32, #tpu.memory_space<vmem>> -> memref<8x4096xf32, #tpu.memory_space<vmem>>
        tpu.wait_dma2 semaphore(%arg10 : memref<!tpu.dma_semaphore, #tpu.memory_space<semaphore_mem>>) src(%dma_wait3A_182 : memref<8x4096xf32, #tpu.memory_space<vmem>>) dst(%dma_wait3A_178 : memref<8x4096xf32, #tpu.memory_space<hbm>>)
      } else {
      }
      %mul3A_55 = arith.constant 8 : i32
      %mul3A_56 = arith.muli %add3A_52, %mul3A_55 : i32
      %add3A_57 = arith.addi %mul3A_2, %mul3A_56 : i32
      %dma_start3A = arith.constant 0 : i32
      %dma_start3A_58 = arith.constant 0 : i32
      %dma_start3A_59 = arith.constant 0 : i32
      %dma_start3A_60 = tpu.memref_slice %arg7[%dma_start3A, %dma_start3A_58, %dma_start3A_59] : memref<2x8x4096xf32, #tpu.memory_space<vmem>> -> memref<1x8x4096xf32, #tpu.memory_space<vmem>>
      %dma_start3A_61 = tpu.memref_squeeze %dma_start3A_60 : memref<1x8x4096xf32, #tpu.memory_space<vmem>> -> memref<8x4096xf32, #tpu.memory_space<vmem>>
      %dma_start3A_62 = arith.constant 0 : i32
      %dma_start3A_63 = tpu.memref_slice %arg2[%add3A_57, %dma_start3A_62] : memref<8192x4096xf32, #tpu.memory_space<hbm>> -> memref<8x4096xf32, #tpu.memory_space<hbm>>
      %dma_start3A_64 = arith.constant 0 : i32
      %dma_start3A_65 = arith.constant 0 : i32
      %dma_start3A_66 = tpu.memref_slice %arg7[%dma_start3A, %dma_start3A_64, %dma_start3A_65] : memref<2x8x4096xf32, #tpu.memory_space<vmem>> -> memref<1x8x4096xf32, #tpu.memory_space<vmem>>
      %dma_start3A_67 = tpu.memref_squeeze %dma_start3A_66 : memref<1x8x4096xf32, #tpu.memory_space<vmem>> -> memref<8x4096xf32, #tpu.memory_space<vmem>>
      %dma_start3A_68 = arith.constant 0 : i32
      %dma_start3A_69 = tpu.memref_slice %arg2[%add3A_57, %dma_start3A_68] : memref<8192x4096xf32, #tpu.memory_space<hbm>> -> memref<8x4096xf32, #tpu.memory_space<hbm>>
      tpu.enqueue_dma source(%dma_start3A_69 : memref<8x4096xf32, #tpu.memory_space<hbm>>) target(%dma_start3A_67 : memref<8x4096xf32, #tpu.memory_space<vmem>>) target_semaphore(%arg8 : memref<!tpu.dma_semaphore, #tpu.memory_space<semaphore_mem>>)
      %mul3A_70 = arith.constant 2 : i32
      %mul3A_71 = arith.muli %scan3A_48, %mul3A_70 : i32
      %add3A_72 = arith.constant 1 : i32
      %add3A_73 = arith.addi %mul3A_71, %add3A_72 : i32
      %gt3A_74 = arith.constant 0 : i32
      %gt3A_75 = arith.cmpi sgt, %scan3A_48, %gt3A_74 : i32
      %convert_element_type3A_76 = arith.extui %gt3A_75 : i1 to i32
      %cond3A_77 = arith.constant 0 : i32
      %cond3A_78 = arith.cmpi ne, %convert_element_type3A_76, %cond3A_77 : i32
      scf.if %cond3A_78 {
        %mul3A_167 = arith.constant 8 : i32
        %mul3A_168 = arith.muli %add3A_73, %mul3A_167 : i32
        %add3A_169 = arith.addi %mul3A_2, %mul3A_168 : i32
        %dma_wait3A_170 = arith.constant 1 : i32
        %dma_wait3A_171 = arith.constant 0 : i32
        %dma_wait3A_172 = arith.constant 0 : i32
        %dma_wait3A_173 = tpu.memref_slice %arg7[%dma_wait3A_170, %dma_wait3A_171, %dma_wait3A_172] : memref<2x8x4096xf32, #tpu.memory_space<vmem>> -> memref<1x8x4096xf32, #tpu.memory_space<vmem>>
        %dma_wait3A_174 = tpu.memref_squeeze %dma_wait3A_173 : memref<1x8x4096xf32, #tpu.memory_space<vmem>> -> memref<8x4096xf32, #tpu.memory_space<vmem>>
        %dma_wait3A_175 = arith.constant 0 : i32
        %dma_wait3A_176 = tpu.memref_slice %arg4[%add3A_169, %dma_wait3A_175] : memref<8192x4096xf32, #tpu.memory_space<hbm>> -> memref<8x4096xf32, #tpu.memory_space<hbm>>
        %dma_wait3A_177 = arith.constant 0 : i32
        %dma_wait3A_178 = tpu.memref_slice %arg4[%add3A_169, %dma_wait3A_177] : memref<8192x4096xf32, #tpu.memory_space<hbm>> -> memref<8x4096xf32, #tpu.memory_space<hbm>>
        %dma_wait3A_179 = arith.constant 0 : i32
        %dma_wait3A_180 = arith.constant 0 : i32
        %dma_wait3A_181 = tpu.memref_slice %arg7[%dma_wait3A_170, %dma_wait3A_179, %dma_wait3A_180] : memref<2x8x4096xf32, #tpu.memory_space<vmem>> -> memref<1x8x4096xf32, #tpu.memory_space<vmem>>
        %dma_wait3A_182 = tpu.memref_squeeze %dma_wait3A_181 : memref<1x8x4096xf32, #tpu.memory_space<vmem>> -> memref<8x4096xf32, #tpu.memory_space<vmem>>
        tpu.wait_dma2 semaphore(%arg11 : memref<!tpu.dma_semaphore, #tpu.memory_space<semaphore_mem>>) src(%dma_wait3A_182 : memref<8x4096xf32, #tpu.memory_space<vmem>>) dst(%dma_wait3A_178 : memref<8x4096xf32, #tpu.memory_space<hbm>>)
      } else {
      }
      %mul3A_79 = arith.constant 8 : i32
      %mul3A_80 = arith.muli %add3A_73, %mul3A_79 : i32
      %add3A_81 = arith.addi %mul3A_2, %mul3A_80 : i32
      %dma_start3A_82 = arith.constant 1 : i32
      %dma_start3A_83 = arith.constant 0 : i32
      %dma_start3A_84 = arith.constant 0 : i32
      %dma_start3A_85 = tpu.memref_slice %arg7[%dma_start3A_82, %dma_start3A_83, %dma_start3A_84] : memref<2x8x4096xf32, #tpu.memory_space<vmem>> -> memref<1x8x4096xf32, #tpu.memory_space<vmem>>
      %dma_start3A_86 = tpu.memref_squeeze %dma_start3A_85 : memref<1x8x4096xf32, #tpu.memory_space<vmem>> -> memref<8x4096xf32, #tpu.memory_space<vmem>>
      %dma_start3A_87 = arith.constant 0 : i32
      %dma_start3A_88 = tpu.memref_slice %arg2[%add3A_81, %dma_start3A_87] : memref<8192x4096xf32, #tpu.memory_space<hbm>> -> memref<8x4096xf32, #tpu.memory_space<hbm>>
      %dma_start3A_89 = arith.constant 0 : i32
      %dma_start3A_90 = arith.constant 0 : i32
      %dma_start3A_91 = tpu.memref_slice %arg7[%dma_start3A_82, %dma_start3A_89, %dma_start3A_90] : memref<2x8x4096xf32, #tpu.memory_space<vmem>> -> memref<1x8x4096xf32, #tpu.memory_space<vmem>>
      %dma_start3A_92 = tpu.memref_squeeze %dma_start3A_91 : memref<1x8x4096xf32, #tpu.memory_space<vmem>> -> memref<8x4096xf32, #tpu.memory_space<vmem>>
      %dma_start3A_93 = arith.constant 0 : i32
      %dma_start3A_94 = tpu.memref_slice %arg2[%add3A_81, %dma_start3A_93] : memref<8192x4096xf32, #tpu.memory_space<hbm>> -> memref<8x4096xf32, #tpu.memory_space<hbm>>
      tpu.enqueue_dma source(%dma_start3A_94 : memref<8x4096xf32, #tpu.memory_space<hbm>>) target(%dma_start3A_92 : memref<8x4096xf32, #tpu.memory_space<vmem>>) target_semaphore(%arg9 : memref<!tpu.dma_semaphore, #tpu.memory_space<semaphore_mem>>)
      %mul3A_95 = arith.constant 2 : i32
      %mul3A_96 = arith.muli %scan3A_48, %mul3A_95 : i32
      %add3A_97 = arith.constant 0 : i32
      %add3A_98 = arith.addi %mul3A_96, %add3A_97 : i32
      %mul3A_99 = arith.constant 8 : i32
      %mul3A_100 = arith.muli %add3A_98, %mul3A_99 : i32
      %add3A_101 = arith.addi %mul3A_2, %mul3A_100 : i32
      %dma_wait3A_102 = arith.constant 0 : i32
      %dma_wait3A_103 = arith.constant 0 : i32
      %dma_wait3A_104 = arith.constant 0 : i32
      %dma_wait3A_105 = tpu.memref_slice %arg7[%dma_wait3A_102, %dma_wait3A_103, %dma_wait3A_104] : memref<2x8x4096xf32, #tpu.memory_space<vmem>> -> memref<1x8x4096xf32, #tpu.memory_space<vmem>>
      %dma_wait3A_106 = tpu.memref_squeeze %dma_wait3A_105 : memref<1x8x4096xf32, #tpu.memory_space<vmem>> -> memref<8x4096xf32, #tpu.memory_space<vmem>>
      %dma_wait3A_107 = arith.constant 0 : i32
      %dma_wait3A_108 = tpu.memref_slice %arg2[%add3A_101, %dma_wait3A_107] : memref<8192x4096xf32, #tpu.memory_space<hbm>> -> memref<8x4096xf32, #tpu.memory_space<hbm>>
      %dma_wait3A_109 = arith.constant 0 : i32
      %dma_wait3A_110 = arith.constant 0 : i32
      %dma_wait3A_111 = tpu.memref_slice %arg7[%dma_wait3A_102, %dma_wait3A_109, %dma_wait3A_110] : memref<2x8x4096xf32, #tpu.memory_space<vmem>> -> memref<1x8x4096xf32, #tpu.memory_space<vmem>>
      %dma_wait3A_112 = tpu.memref_squeeze %dma_wait3A_111 : memref<1x8x4096xf32, #tpu.memory_space<vmem>> -> memref<8x4096xf32, #tpu.memory_space<vmem>>
      %dma_wait3A_113 = arith.constant 0 : i32
      %dma_wait3A_114 = tpu.memref_slice %arg2[%add3A_101, %dma_wait3A_113] : memref<8192x4096xf32, #tpu.memory_space<hbm>> -> memref<8x4096xf32, #tpu.memory_space<hbm>>
      tpu.wait_dma2 semaphore(%arg8 : memref<!tpu.dma_semaphore, #tpu.memory_space<semaphore_mem>>) src(%dma_wait3A_114 : memref<8x4096xf32, #tpu.memory_space<hbm>>) dst(%dma_wait3A_112 : memref<8x4096xf32, #tpu.memory_space<vmem>>)
      %mul3A_115 = arith.constant 8 : i32
      %mul3A_116 = arith.muli %add3A_98, %mul3A_115 : i32
      %add3A_117 = arith.addi %mul3A_2, %mul3A_116 : i32
      %dma_start3A_118 = arith.constant 0 : i32
      %dma_start3A_119 = arith.constant 0 : i32
      %dma_start3A_120 = arith.constant 0 : i32
      %dma_start3A_121 = tpu.memref_slice %arg7[%dma_start3A_118, %dma_start3A_119, %dma_start3A_120] : memref<2x8x4096xf32, #tpu.memory_space<vmem>> -> memref<1x8x4096xf32, #tpu.memory_space<vmem>>
      %dma_start3A_122 = tpu.memref_squeeze %dma_start3A_121 : memref<1x8x4096xf32, #tpu.memory_space<vmem>> -> memref<8x4096xf32, #tpu.memory_space<vmem>>
      %dma_start3A_123 = arith.constant 0 : i32
      %dma_start3A_124 = tpu.memref_slice %arg4[%add3A_117, %dma_start3A_123] : memref<8192x4096xf32, #tpu.memory_space<hbm>> -> memref<8x4096xf32, #tpu.memory_space<hbm>>
      %dma_start3A_125 = arith.constant 0 : i32
      %dma_start3A_126 = tpu.memref_slice %arg4[%add3A_117, %dma_start3A_125] : memref<8192x4096xf32, #tpu.memory_space<hbm>> -> memref<8x4096xf32, #tpu.memory_space<hbm>>
      %dma_start3A_127 = arith.constant 0 : i32
      %dma_start3A_128 = arith.constant 0 : i32
      %dma_start3A_129 = tpu.memref_slice %arg7[%dma_start3A_118, %dma_start3A_127, %dma_start3A_128] : memref<2x8x4096xf32, #tpu.memory_space<vmem>> -> memref<1x8x4096xf32, #tpu.memory_space<vmem>>
      %dma_start3A_130 = tpu.memref_squeeze %dma_start3A_129 : memref<1x8x4096xf32, #tpu.memory_space<vmem>> -> memref<8x4096xf32, #tpu.memory_space<vmem>>
      tpu.enqueue_dma source(%dma_start3A_130 : memref<8x4096xf32, #tpu.memory_space<vmem>>) target(%dma_start3A_126 : memref<8x4096xf32, #tpu.memory_space<hbm>>) target_semaphore(%arg10 : memref<!tpu.dma_semaphore, #tpu.memory_space<semaphore_mem>>)
      %mul3A_131 = arith.constant 2 : i32
      %mul3A_132 = arith.muli %scan3A_48, %mul3A_131 : i32
      %add3A_133 = arith.constant 1 : i32
      %add3A_134 = arith.addi %mul3A_132, %add3A_133 : i32
      %mul3A_135 = arith.constant 8 : i32
      %mul3A_136 = arith.muli %add3A_134, %mul3A_135 : i32
      %add3A_137 = arith.addi %mul3A_2, %mul3A_136 : i32
      %dma_wait3A_138 = arith.constant 1 : i32
      %dma_wait3A_139 = arith.constant 0 : i32
      %dma_wait3A_140 = arith.constant 0 : i32
      %dma_wait3A_141 = tpu.memref_slice %arg7[%dma_wait3A_138, %dma_wait3A_139, %dma_wait3A_140] : memref<2x8x4096xf32, #tpu.memory_space<vmem>> -> memref<1x8x4096xf32, #tpu.memory_space<vmem>>
      %dma_wait3A_142 = tpu.memref_squeeze %dma_wait3A_141 : memref<1x8x4096xf32, #tpu.memory_space<vmem>> -> memref<8x4096xf32, #tpu.memory_space<vmem>>
      %dma_wait3A_143 = arith.constant 0 : i32
      %dma_wait3A_144 = tpu.memref_slice %arg2[%add3A_137, %dma_wait3A_143] : memref<8192x4096xf32, #tpu.memory_space<hbm>> -> memref<8x4096xf32, #tpu.memory_space<hbm>>
      %dma_wait3A_145 = arith.constant 0 : i32
      %dma_wait3A_146 = arith.constant 0 : i32
      %dma_wait3A_147 = tpu.memref_slice %arg7[%dma_wait3A_138, %dma_wait3A_145, %dma_wait3A_146] : memref<2x8x4096xf32, #tpu.memory_space<vmem>> -> memref<1x8x4096xf32, #tpu.memory_space<vmem>>
      %dma_wait3A_148 = tpu.memref_squeeze %dma_wait3A_147 : memref<1x8x4096xf32, #tpu.memory_space<vmem>> -> memref<8x4096xf32, #tpu.memory_space<vmem>>
      %dma_wait3A_149 = arith.constant 0 : i32
      %dma_wait3A_150 = tpu.memref_slice %arg2[%add3A_137, %dma_wait3A_149] : memref<8192x4096xf32, #tpu.memory_space<hbm>> -> memref<8x4096xf32, #tpu.memory_space<hbm>>
      tpu.wait_dma2 semaphore(%arg9 : memref<!tpu.dma_semaphore, #tpu.memory_space<semaphore_mem>>) src(%dma_wait3A_150 : memref<8x4096xf32, #tpu.memory_space<hbm>>) dst(%dma_wait3A_148 : memref<8x4096xf32, #tpu.memory_space<vmem>>)
      %mul3A_151 = arith.constant 8 : i32
      %mul3A_152 = arith.muli %add3A_134, %mul3A_151 : i32
      %add3A_153 = arith.addi %mul3A_2, %mul3A_152 : i32
      %dma_start3A_154 = arith.constant 1 : i32
      %dma_start3A_155 = arith.constant 0 : i32
      %dma_start3A_156 = arith.constant 0 : i32
      %dma_start3A_157 = tpu.memref_slice %arg7[%dma_start3A_154, %dma_start3A_155, %dma_start3A_156] : memref<2x8x4096xf32, #tpu.memory_space<vmem>> -> memref<1x8x4096xf32, #tpu.memory_space<vmem>>
      %dma_start3A_158 = tpu.memref_squeeze %dma_start3A_157 : memref<1x8x4096xf32, #tpu.memory_space<vmem>> -> memref<8x4096xf32, #tpu.memory_space<vmem>>
      %dma_start3A_159 = arith.constant 0 : i32
      %dma_start3A_160 = tpu.memref_slice %arg4[%add3A_153, %dma_start3A_159] : memref<8192x4096xf32, #tpu.memory_space<hbm>> -> memref<8x4096xf32, #tpu.memory_space<hbm>>
      %dma_start3A_161 = arith.constant 0 : i32
      %dma_start3A_162 = tpu.memref_slice %arg4[%add3A_153, %dma_start3A_161] : memref<8192x4096xf32, #tpu.memory_space<hbm>> -> memref<8x4096xf32, #tpu.memory_space<hbm>>
      %dma_start3A_163 = arith.constant 0 : i32
      %dma_start3A_164 = arith.constant 0 : i32
      %dma_start3A_165 = tpu.memref_slice %arg7[%dma_start3A_154, %dma_start3A_163, %dma_start3A_164] : memref<2x8x4096xf32, #tpu.memory_space<vmem>> -> memref<1x8x4096xf32, #tpu.memory_space<vmem>>
      %dma_start3A_166 = tpu.memref_squeeze %dma_start3A_165 : memref<1x8x4096xf32, #tpu.memory_space<vmem>> -> memref<8x4096xf32, #tpu.memory_space<vmem>>
      tpu.enqueue_dma source(%dma_start3A_166 : memref<8x4096xf32, #tpu.memory_space<vmem>>) target(%dma_start3A_162 : memref<8x4096xf32, #tpu.memory_space<hbm>>) target_semaphore(%arg11 : memref<!tpu.dma_semaphore, #tpu.memory_space<semaphore_mem>>)
    }
    %scan3A_14 = arith.constant 16 : i32
    %add3A_15 = arith.constant 0 : i32
    %add3A_16 = arith.addi %mul3A_2, %add3A_15 : i32
    %dma_wait3A = arith.constant 0 : i32
    %dma_wait3A_17 = arith.constant 0 : i32
    %dma_wait3A_18 = arith.constant 0 : i32
    %dma_wait3A_19 = tpu.memref_slice %arg7[%dma_wait3A, %dma_wait3A_17, %dma_wait3A_18] : memref<2x8x4096xf32, #tpu.memory_space<vmem>> -> memref<1x8x4096xf32, #tpu.memory_space<vmem>>
    %dma_wait3A_20 = tpu.memref_squeeze %dma_wait3A_19 : memref<1x8x4096xf32, #tpu.memory_space<vmem>> -> memref<8x4096xf32, #tpu.memory_space<vmem>>
    %dma_wait3A_21 = arith.constant 0 : i32
    %dma_wait3A_22 = tpu.memref_slice %arg4[%add3A_16, %dma_wait3A_21] : memref<8192x4096xf32, #tpu.memory_space<hbm>> -> memref<8x4096xf32, #tpu.memory_space<hbm>>
    %dma_wait3A_23 = arith.constant 0 : i32
    %dma_wait3A_24 = tpu.memref_slice %arg4[%add3A_16, %dma_wait3A_23] : memref<8192x4096xf32, #tpu.memory_space<hbm>> -> memref<8x4096xf32, #tpu.memory_space<hbm>>
    %dma_wait3A_25 = arith.constant 0 : i32
    %dma_wait3A_26 = arith.constant 0 : i32
    %dma_wait3A_27 = tpu.memref_slice %arg7[%dma_wait3A, %dma_wait3A_25, %dma_wait3A_26] : memref<2x8x4096xf32, #tpu.memory_space<vmem>> -> memref<1x8x4096xf32, #tpu.memory_space<vmem>>
    %dma_wait3A_28 = tpu.memref_squeeze %dma_wait3A_27 : memref<1x8x4096xf32, #tpu.memory_space<vmem>> -> memref<8x4096xf32, #tpu.memory_space<vmem>>
    tpu.wait_dma2 semaphore(%arg10 : memref<!tpu.dma_semaphore, #tpu.memory_space<semaphore_mem>>) src(%dma_wait3A_28 : memref<8x4096xf32, #tpu.memory_space<vmem>>) dst(%dma_wait3A_24 : memref<8x4096xf32, #tpu.memory_space<hbm>>)
    %add3A_29 = arith.constant 8 : i32
    %add3A_30 = arith.addi %mul3A_2, %add3A_29 : i32
    %dma_wait3A_31 = arith.constant 1 : i32
    %dma_wait3A_32 = arith.constant 0 : i32
    %dma_wait3A_33 = arith.constant 0 : i32
    %dma_wait3A_34 = tpu.memref_slice %arg7[%dma_wait3A_31, %dma_wait3A_32, %dma_wait3A_33] : memref<2x8x4096xf32, #tpu.memory_space<vmem>> -> memref<1x8x4096xf32, #tpu.memory_space<vmem>>
    %dma_wait3A_35 = tpu.memref_squeeze %dma_wait3A_34 : memref<1x8x4096xf32, #tpu.memory_space<vmem>> -> memref<8x4096xf32, #tpu.memory_space<vmem>>
    %dma_wait3A_36 = arith.constant 0 : i32
    %dma_wait3A_37 = tpu.memref_slice %arg4[%add3A_30, %dma_wait3A_36] : memref<8192x4096xf32, #tpu.memory_space<hbm>> -> memref<8x4096xf32, #tpu.memory_space<hbm>>
    %dma_wait3A_38 = arith.constant 0 : i32
    %dma_wait3A_39 = tpu.memref_slice %arg4[%add3A_30, %dma_wait3A_38] : memref<8192x4096xf32, #tpu.memory_space<hbm>> -> memref<8x4096xf32, #tpu.memory_space<hbm>>
    %dma_wait3A_40 = arith.constant 0 : i32
    %dma_wait3A_41 = arith.constant 0 : i32
    %dma_wait3A_42 = tpu.memref_slice %arg7[%dma_wait3A_31, %dma_wait3A_40, %dma_wait3A_41] : memref<2x8x4096xf32, #tpu.memory_space<vmem>> -> memref<1x8x4096xf32, #tpu.memory_space<vmem>>
    %dma_wait3A_43 = tpu.memref_squeeze %dma_wait3A_42 : memref<1x8x4096xf32, #tpu.memory_space<vmem>> -> memref<8x4096xf32, #tpu.memory_space<vmem>>
    tpu.wait_dma2 semaphore(%arg11 : memref<!tpu.dma_semaphore, #tpu.memory_space<semaphore_mem>>) src(%dma_wait3A_43 : memref<8x4096xf32, #tpu.memory_space<vmem>>) dst(%dma_wait3A_39 : memref<8x4096xf32, #tpu.memory_space<hbm>>)
    %run_scoped3A = arith.constant 0 : i32
    "tpu.region"() ({
      %run_scoped3A_48 = tpu.sem_alloc : memref<!tpu.dma_semaphore, #tpu.memory_space<semaphore_mem>>
      %dma_start3A = arith.constant 0 : i32
      %dma_start3A_49 = tpu.memref_slice %arg5[%run_scoped3A, %dma_start3A] : memref<5x8xi32, #tpu.memory_space<vmem>> -> memref<1x8xi32, #tpu.memory_space<vmem>>
      %dma_start3A_50 = tpu.memref_squeeze %dma_start3A_49 : memref<1x8xi32, #tpu.memory_space<vmem>> -> memref<8xi32, #tpu.memory_space<vmem>>
      %dma_start3A_51 = arith.constant 0 : i32
      %dma_start3A_52 = arith.constant 0 : i32
      %dma_start3A_53 = tpu.memref_slice %arg4[%dma_start3A_51, %dma_start3A_52] : memref<8192x4096xf32, #tpu.memory_space<hbm>> -> memref<8192x4096xf32, #tpu.memory_space<hbm>>
      tpu.enqueue_indirect_dma source(%arg6 : memref<8x4096xf32, #tpu.memory_space<vmem>>) target(%dma_start3A_53 : memref<8192x4096xf32, #tpu.memory_space<hbm>>) offsets(%dma_start3A_50 : memref<8xi32, #tpu.memory_space<vmem>>) semaphore(%run_scoped3A_48 : memref<!tpu.dma_semaphore, #tpu.memory_space<semaphore_mem>>)
      %dma_wait3A_54 = arith.constant 0 : i32
      %dma_wait3A_55 = tpu.memref_slice %arg5[%run_scoped3A, %dma_wait3A_54] : memref<5x8xi32, #tpu.memory_space<vmem>> -> memref<1x8xi32, #tpu.memory_space<vmem>>
      %dma_wait3A_56 = tpu.memref_squeeze %dma_wait3A_55 : memref<1x8xi32, #tpu.memory_space<vmem>> -> memref<8xi32, #tpu.memory_space<vmem>>
      %dma_wait3A_57 = arith.constant 0 : i32
      %dma_wait3A_58 = arith.constant 0 : i32
      %dma_wait3A_59 = tpu.memref_slice %arg4[%dma_wait3A_57, %dma_wait3A_58] : memref<8192x4096xf32, #tpu.memory_space<hbm>> -> memref<8192x4096xf32, #tpu.memory_space<hbm>>
      tpu.wait_indirect_dma semaphore(%run_scoped3A_48 : memref<!tpu.dma_semaphore, #tpu.memory_space<semaphore_mem>>) src(%arg6 : memref<8x4096xf32, #tpu.memory_space<vmem>>) dst(%dma_wait3A_59 : memref<8192x4096xf32, #tpu.memory_space<hbm>>)
      tpu.yield
    }) : () -> ()
    %run_scoped3A_44 = arith.constant 1 : i32
    "tpu.region"() ({
      %run_scoped3A_48 = tpu.sem_alloc : memref<!tpu.dma_semaphore, #tpu.memory_space<semaphore_mem>>
      %dma_start3A = arith.constant 0 : i32
      %dma_start3A_49 = tpu.memref_slice %arg5[%run_scoped3A_44, %dma_start3A] : memref<5x8xi32, #tpu.memory_space<vmem>> -> memref<1x8xi32, #tpu.memory_space<vmem>>
      %dma_start3A_50 = tpu.memref_squeeze %dma_start3A_49 : memref<1x8xi32, #tpu.memory_space<vmem>> -> memref<8xi32, #tpu.memory_space<vmem>>
      %dma_start3A_51 = arith.constant 0 : i32
      %dma_start3A_52 = arith.constant 0 : i32
      %dma_start3A_53 = tpu.memref_slice %arg4[%dma_start3A_51, %dma_start3A_52] : memref<8192x4096xf32, #tpu.memory_space<hbm>> -> memref<8192x4096xf32, #tpu.memory_space<hbm>>
      tpu.enqueue_indirect_dma source(%arg6 : memref<8x4096xf32, #tpu.memory_space<vmem>>) target(%dma_start3A_53 : memref<8192x4096xf32, #tpu.memory_space<hbm>>) offsets(%dma_start3A_50 : memref<8xi32, #tpu.memory_space<vmem>>) semaphore(%run_scoped3A_48 : memref<!tpu.dma_semaphore, #tpu.memory_space<semaphore_mem>>)
      %dma_wait3A_54 = arith.constant 0 : i32
      %dma_wait3A_55 = tpu.memref_slice %arg5[%run_scoped3A_44, %dma_wait3A_54] : memref<5x8xi32, #tpu.memory_space<vmem>> -> memref<1x8xi32, #tpu.memory_space<vmem>>
      %dma_wait3A_56 = tpu.memref_squeeze %dma_wait3A_55 : memref<1x8xi32, #tpu.memory_space<vmem>> -> memref<8xi32, #tpu.memory_space<vmem>>
      %dma_wait3A_57 = arith.constant 0 : i32
      %dma_wait3A_58 = arith.constant 0 : i32
      %dma_wait3A_59 = tpu.memref_slice %arg4[%dma_wait3A_57, %dma_wait3A_58] : memref<8192x4096xf32, #tpu.memory_space<hbm>> -> memref<8192x4096xf32, #tpu.memory_space<hbm>>
      tpu.wait_indirect_dma semaphore(%run_scoped3A_48 : memref<!tpu.dma_semaphore, #tpu.memory_space<semaphore_mem>>) src(%arg6 : memref<8x4096xf32, #tpu.memory_space<vmem>>) dst(%dma_wait3A_59 : memref<8192x4096xf32, #tpu.memory_space<hbm>>)
      tpu.yield
    }) : () -> ()
    %run_scoped3A_45 = arith.constant 2 : i32
    "tpu.region"() ({
      %run_scoped3A_48 = tpu.sem_alloc : memref<!tpu.dma_semaphore, #tpu.memory_space<semaphore_mem>>
      %dma_start3A = arith.constant 0 : i32
      %dma_start3A_49 = tpu.memref_slice %arg5[%run_scoped3A_45, %dma_start3A] : memref<5x8xi32, #tpu.memory_space<vmem>> -> memref<1x8xi32, #tpu.memory_space<vmem>>
      %dma_start3A_50 = tpu.memref_squeeze %dma_start3A_49 : memref<1x8xi32, #tpu.memory_space<vmem>> -> memref<8xi32, #tpu.memory_space<vmem>>
      %dma_start3A_51 = arith.constant 0 : i32
      %dma_start3A_52 = arith.constant 0 : i32
      %dma_start3A_53 = tpu.memref_slice %arg4[%dma_start3A_51, %dma_start3A_52] : memref<8192x4096xf32, #tpu.memory_space<hbm>> -> memref<8192x4096xf32, #tpu.memory_space<hbm>>
      tpu.enqueue_indirect_dma source(%arg6 : memref<8x4096xf32, #tpu.memory_space<vmem>>) target(%dma_start3A_53 : memref<8192x4096xf32, #tpu.memory_space<hbm>>) offsets(%dma_start3A_50 : memref<8xi32, #tpu.memory_space<vmem>>) semaphore(%run_scoped3A_48 : memref<!tpu.dma_semaphore, #tpu.memory_space<semaphore_mem>>)
      %dma_wait3A_54 = arith.constant 0 : i32
      %dma_wait3A_55 = tpu.memref_slice %arg5[%run_scoped3A_45, %dma_wait3A_54] : memref<5x8xi32, #tpu.memory_space<vmem>> -> memref<1x8xi32, #tpu.memory_space<vmem>>
      %dma_wait3A_56 = tpu.memref_squeeze %dma_wait3A_55 : memref<1x8xi32, #tpu.memory_space<vmem>> -> memref<8xi32, #tpu.memory_space<vmem>>
      %dma_wait3A_57 = arith.constant 0 : i32
      %dma_wait3A_58 = arith.constant 0 : i32
      %dma_wait3A_59 = tpu.memref_slice %arg4[%dma_wait3A_57, %dma_wait3A_58] : memref<8192x4096xf32, #tpu.memory_space<hbm>> -> memref<8192x4096xf32, #tpu.memory_space<hbm>>
      tpu.wait_indirect_dma semaphore(%run_scoped3A_48 : memref<!tpu.dma_semaphore, #tpu.memory_space<semaphore_mem>>) src(%arg6 : memref<8x4096xf32, #tpu.memory_space<vmem>>) dst(%dma_wait3A_59 : memref<8192x4096xf32, #tpu.memory_space<hbm>>)
      tpu.yield
    }) : () -> ()
    %run_scoped3A_46 = arith.constant 3 : i32
    "tpu.region"() ({
      %run_scoped3A_48 = tpu.sem_alloc : memref<!tpu.dma_semaphore, #tpu.memory_space<semaphore_mem>>
      %dma_start3A = arith.constant 0 : i32
      %dma_start3A_49 = tpu.memref_slice %arg5[%run_scoped3A_46, %dma_start3A] : memref<5x8xi32, #tpu.memory_space<vmem>> -> memref<1x8xi32, #tpu.memory_space<vmem>>
      %dma_start3A_50 = tpu.memref_squeeze %dma_start3A_49 : memref<1x8xi32, #tpu.memory_space<vmem>> -> memref<8xi32, #tpu.memory_space<vmem>>
      %dma_start3A_51 = arith.constant 0 : i32
      %dma_start3A_52 = arith.constant 0 : i32
      %dma_start3A_53 = tpu.memref_slice %arg4[%dma_start3A_51, %dma_start3A_52] : memref<8192x4096xf32, #tpu.memory_space<hbm>> -> memref<8192x4096xf32, #tpu.memory_space<hbm>>
      tpu.enqueue_indirect_dma source(%arg6 : memref<8x4096xf32, #tpu.memory_space<vmem>>) target(%dma_start3A_53 : memref<8192x4096xf32, #tpu.memory_space<hbm>>) offsets(%dma_start3A_50 : memref<8xi32, #tpu.memory_space<vmem>>) semaphore(%run_scoped3A_48 : memref<!tpu.dma_semaphore, #tpu.memory_space<semaphore_mem>>)
      %dma_wait3A_54 = arith.constant 0 : i32
      %dma_wait3A_55 = tpu.memref_slice %arg5[%run_scoped3A_46, %dma_wait3A_54] : memref<5x8xi32, #tpu.memory_space<vmem>> -> memref<1x8xi32, #tpu.memory_space<vmem>>
      %dma_wait3A_56 = tpu.memref_squeeze %dma_wait3A_55 : memref<1x8xi32, #tpu.memory_space<vmem>> -> memref<8xi32, #tpu.memory_space<vmem>>
      %dma_wait3A_57 = arith.constant 0 : i32
      %dma_wait3A_58 = arith.constant 0 : i32
      %dma_wait3A_59 = tpu.memref_slice %arg4[%dma_wait3A_57, %dma_wait3A_58] : memref<8192x4096xf32, #tpu.memory_space<hbm>> -> memref<8192x4096xf32, #tpu.memory_space<hbm>>
      tpu.wait_indirect_dma semaphore(%run_scoped3A_48 : memref<!tpu.dma_semaphore, #tpu.memory_space<semaphore_mem>>) src(%arg6 : memref<8x4096xf32, #tpu.memory_space<vmem>>) dst(%dma_wait3A_59 : memref<8192x4096xf32, #tpu.memory_space<hbm>>)
      tpu.yield
    }) : () -> ()
    %run_scoped3A_47 = arith.constant 4 : i32
    "tpu.region"() ({
      %run_scoped3A_48 = tpu.sem_alloc : memref<!tpu.dma_semaphore, #tpu.memory_space<semaphore_mem>>
      %dma_start3A = arith.constant 0 : i32
      %dma_start3A_49 = tpu.memref_slice %arg5[%run_scoped3A_47, %dma_start3A] : memref<5x8xi32, #tpu.memory_space<vmem>> -> memref<1x8xi32, #tpu.memory_space<vmem>>
      %dma_start3A_50 = tpu.memref_squeeze %dma_start3A_49 : memref<1x8xi32, #tpu.memory_space<vmem>> -> memref<8xi32, #tpu.memory_space<vmem>>
      %dma_start3A_51 = arith.constant 0 : i32
      %dma_start3A_52 = arith.constant 0 : i32
      %dma_start3A_53 = tpu.memref_slice %arg4[%dma_start3A_51, %dma_start3A_52] : memref<8192x4096xf32, #tpu.memory_space<hbm>> -> memref<8192x4096xf32, #tpu.memory_space<hbm>>
      tpu.enqueue_indirect_dma source(%arg6 : memref<8x4096xf32, #tpu.memory_space<vmem>>) target(%dma_start3A_53 : memref<8192x4096xf32, #tpu.memory_space<hbm>>) offsets(%dma_start3A_50 : memref<8xi32, #tpu.memory_space<vmem>>) semaphore(%run_scoped3A_48 : memref<!tpu.dma_semaphore, #tpu.memory_space<semaphore_mem>>)
      %dma_wait3A_54 = arith.constant 0 : i32
      %dma_wait3A_55 = tpu.memref_slice %arg5[%run_scoped3A_47, %dma_wait3A_54] : memref<5x8xi32, #tpu.memory_space<vmem>> -> memref<1x8xi32, #tpu.memory_space<vmem>>
      %dma_wait3A_56 = tpu.memref_squeeze %dma_wait3A_55 : memref<1x8xi32, #tpu.memory_space<vmem>> -> memref<8xi32, #tpu.memory_space<vmem>>
      %dma_wait3A_57 = arith.constant 0 : i32
      %dma_wait3A_58 = arith.constant 0 : i32
      %dma_wait3A_59 = tpu.memref_slice %arg4[%dma_wait3A_57, %dma_wait3A_58] : memref<8192x4096xf32, #tpu.memory_space<hbm>> -> memref<8192x4096xf32, #tpu.memory_space<hbm>>
      tpu.wait_indirect_dma semaphore(%run_scoped3A_48 : memref<!tpu.dma_semaphore, #tpu.memory_space<semaphore_mem>>) src(%arg6 : memref<8x4096xf32, #tpu.memory_space<vmem>>) dst(%dma_wait3A_59 : memref<8192x4096xf32, #tpu.memory_space<hbm>>)
      tpu.yield
    }) : () -> ()
    return
  }
}

</mosaic_0001>

<sc_bundles>
// kernel: kernel.3.cloned.1.call-start
scs
__scs_entry_jumppad:
0x0: {  	(pc) =	sbr.rel $0x88, $3  }
0x1: {  	(tag) =	ssettag $0x0;
	lr =	simm.s32 $0x1  }
0x2: {  	[smem:$0x3FA0] =	sst lr;
	_ =	strace $0xD0000000  }
0x3: {  	_ = 	snop  }
0x4: {  	_ = 	snop  }
0x5: {  	_ = 	snop  }
0x6: {  	_ = 	snop  }
0x7: {  	_ = 	snop  }
__scs_overlays_trampoline_lowered:
0x8: {  	[smem:$0x3FAF] =	sst s0  }
0x9: {  	[smem:$0x3FB0] =	sst s1  }
0xa: {  	[smem:$0x3FB1] =	sst s2  }
0xb: {  	[smem:$0x3FB2] =	sst s3  }
0xc: {  	[smem:$0x3FB3] =	sst s4  }
0xd: {  	[smem:$0x3FB4] =	sst s5  }
0xe: {  	[smem:$0x3FB5] =	sst s6  }
0xf: {  	[smem:$0x3FB6] =	sst s7  }
0x10: {  	[smem:$0x3FB7] =	sst s8  }
0x11: {  	[smem:$0x3FB8] =	sst s9;
	s0 =	simm.s32 @!p0 $0x0  }
0x12: {  	s1 =	sld [smem:$0x3F9E];
	s0 =	simm.s32 @p0 $0x1  }
0x13: {  	[smem:$0x3FB9] =	sst s0;
	s0 =	simm.s32 @!p1 $0x0  }
0x14: {  	s2 =	sld [smem:$0x3F9D];
	s0 =	simm.s32 @p1 $0x1  }
0x15: {  	[smem:$0x3FBA] =	sst s0;
	s0 =	simm.s32 @!p2 $0x0  }
0x16: {  	s3 =	sld [smem:$0x3FDB];
	s0 =	simm.s32 @p2 $0x1  }
0x17: {  	s4 =	simm.s32 $0x1BF5;
	[smem:$0x3FBC] =	sst s0  }
0x18: {  	s0 =	sld [smem:$0x3F9F];
	_ =	swait.ge [sflag:s4], $0x0  }
0x19: {  	s7 =	sld [smem:$0x3FA0]  }
0x1a: {  	s8 =	sadd.s32 $0xFFFFE003, lr  }
0x1b: {  	s9 =	sadd.s32 $0xFFFFFEF7, lr;
	s5 =	simm.s32 $0xFFFFFFFF;
	p2 =	slt.u32 s8, $0xFFFFF086  }
0x1c: {  	p1 =	slt.u32 s9, $0xF7A;
	s5 =	simm.s32 @!p2 $0x0  }
0x1d: {  	s5 =	simm.s32 @p1 $0x1;
	p0 =	seq.s32 s7, s2  }
0x1e: {  	s7 =	smul.u32 @!p0 $0xF7A, s2;
	p2 =	seq.s32 @!p0 s5, $0x0  }
0x1f: {  	s9 =	smul.u32 $0xF7A, s1;
	s8 =	simm.s32 @!p0 $0x1BF5;
	p2 =	por !p2, p0  }
0x20: {  	[sflag:s8] =	ssyncset.s32 @!p0 $0xFFFFF086;
	s6 =	sadd.s32 @!p0 s3, s7;
	s7 =	simm.s32 @!p0 $0x108  }
0x21: {  	s3 =	sadd.s32 s3, s9;
	s6 =	sadd.s32 @!p0 $0x88, s6;
	s7 =	simm.s32 @p2 $0x1082  }
0x22: {  	[simem:s7], [sflag:s8] =	dma.local @!p0 [hbm:s6], $0xF7A  }
0x23: {  	s9 =	sor.u32 $0xD0000000, s2;
	s6 =	simm.s32 $0x108;
	_ =	swait.ge @!p0 [sflag:s8], $0x0  }
0x24: {  	s3 =	sadd.s32 $0x88, s3;
	s6 =	simm.s32 @!p1 $0x1082;
	[sflag:s4] =	ssyncset.s32 $0xFFFFF086  }
0x25: {  	[simem:s6], [sflag:s4] =	dma.local [hbm:s3], $0xF7A  }
0x26: {  	[smem:$0x3FA0] =	sst s1;
	(tag) =	ssettag s2;
	_ =	strace s9  }
0x27: {  	s1 =	sld [smem:$0x3FB0]  }
0x28: {  	s2 =	sld [smem:$0x3FB1]  }
0x29: {  	s4 =	sld [smem:$0x3FB3]  }
0x2a: {  	p0 =	seq.s32 s5, $0x0;
	s5 =	sld [smem:$0x3FB4]  }
0x2b: {  	s6 =	sld [smem:$0x3FB5]  }
0x2c: {  	s7 =	sld [smem:$0x3FB6]  }
0x2d: {  	s3 =	simm.s32 $0x108;
	s8 =	sld [smem:$0x3FB7]  }
0x2e: {  	s3 =	simm.s32 @!p0 $0x1082;
	s9 =	sld [smem:$0x3FB8]  }
0x2f: {  	lr =	sadd.s32 s0, s3;
	s0 =	sld [smem:$0x3FAF]  }
0x30: {  	s3 =	sld [smem:$0x3FB2]  }
0x31: {  	[smem:$0x3FBB] =	sst s10  }
0x32: {  	s10 =	sld [smem:$0x3FB9];
	_ =	sdelay $0x3  }
0x33: {  	p0 =	seq.s32 s10, $0x1;
	s10 =	sld [smem:$0x3FBB];
	_ =	sdelay $0x3  }
0x34: {  	[smem:$0x3FBB] =	sst s10  }
0x35: {  	s10 =	sld [smem:$0x3FBA];
	_ =	sdelay $0x3  }
0x36: {  	p1 =	seq.s32 s10, $0x1;
	s10 =	sld [smem:$0x3FBB];
	_ =	sdelay $0x3  }
0x37: {  	[smem:$0x3FBB] =	sst s10  }
0x38: {  	s10 =	sld [smem:$0x3FBC]  }
0x39: {  	_ = 	snop;
	(pc) =	sbr.ind lr, $3  }
0x3a: {  	_ = 	snop  }
0x3b: {  	_ = 	snop  }
0x3c: {  	p2 =	seq.s32 s10, $0x1;
	s10 =	sld [smem:$0x3FBB]  }
0x3d: {  	_ =	shalt  }
0x3e: {  	_ =	shalt  }
0x3f: {  	_ =	shalt  }
0x40: {  	_ =	shalt  }
0x41: {  	_ =	shalt  }
0x42: {  	_ =	shalt  }
0x43: {  	_ =	shalt  }
0x44: {  	_ =	shalt  }
0x45: {  	_ =	shalt  }
0x46: {  	_ =	shalt  }
0x47: {  	_ =	shalt  }
0x48: {  	_ =	shalt  }
0x49: {  	_ =	shalt  }
0x4a: {  	_ =	shalt  }
0x4b: {  	_ =	shalt  }
0x4c: {  	_ =	shalt  }
0x4d: {  	_ =	shalt  }
0x4e: {  	_ =	shalt  }
0x4f: {  	_ =	shalt  }
0x50: {  	_ =	shalt  }
0x51: {  	_ =	shalt  }
0x52: {  	_ =	shalt  }
0x53: {  	_ =	shalt  }
0x54: {  	_ =	shalt  }
0x55: {  	_ =	shalt  }
0x56: {  	_ =	shalt  }
0x57: {  	_ =	shalt  }
0x58: {  	_ =	shalt  }
0x59: {  	_ =	shalt  }
0x5a: {  	_ =	shalt  }
0x5b: {  	_ =	shalt  }
0x5c: {  	_ =	shalt  }
0x5d: {  	_ =	shalt  }
0x5e: {  	_ =	shalt  }
0x5f: {  	_ =	shalt  }
0x60: {  	_ =	shalt  }
0x61: {  	_ =	shalt  }
0x62: {  	_ =	shalt  }
0x63: {  	_ =	shalt  }
0x64: {  	_ =	shalt  }
0x65: {  	_ =	shalt  }
0x66: {  	_ =	shalt  }
0x67: {  	_ =	shalt  }
0x68: {  	_ =	shalt  }
0x69: {  	_ =	shalt  }
0x6a: {  	_ =	shalt  }
0x6b: {  	_ =	shalt  }
0x6c: {  	_ =	shalt  }
0x6d: {  	_ =	shalt  }
0x6e: {  	_ =	shalt  }
0x6f: {  	_ =	shalt  }
0x70: {  	_ =	shalt  }
0x71: {  	_ =	shalt  }
0x72: {  	_ =	shalt  }
0x73: {  	_ =	shalt  }
0x74: {  	_ =	shalt  }
0x75: {  	_ =	shalt  }
0x76: {  	_ =	shalt  }
0x77: {  	_ =	shalt  }
0x78: {  	_ =	shalt  }
0x79: {  	_ =	shalt  }
0x7a: {  	_ =	shalt  }
0x7b: {  	_ =	shalt  }
0x7c: {  	_ =	shalt  }
0x7d: {  	_ =	shalt  }
0x7e: {  	_ =	shalt  }
0x7f: {  	_ =	shalt  }
0x80: {  	_ =	shalt  }
0x81: {  	_ =	shalt  }
0x82: {  	_ =	shalt  }
0x83: {  	_ =	shalt  }
0x84: {  	_ =	shalt  }
0x85: {  	_ =	shalt  }
0x86: {  	_ =	shalt  }
0x87: {  	_ =	shalt  }
.Lfunc_end0:
.L_simem_size_0:
called_computation_lowered:
.L_overlay_start_0:
0x88: {  	s2 =	sld [smem:$0x3FD9]  }
0x89: {  	s3 =	sld [smem:$0x3FFE];
	_ =	sdelay $0x1  }
0x8a: {  	s1 =	srdreg.scid  }
0x8b: {  	s0 =	sand.u32 $0x1, s1  }
0x8c: {  	s17 =	sshll.u32 s0, $0xA;
	s2 =	sadd.s32 s3, s2  }
0x8d: {  	s2 =	sadd.s32 s2, s17  }
0x8e: {  	[smem:$0x3FC7] =	sst s2  }
0x8f: {  	_ = 	snop  }
0x90: {  	s2 =	sld [smem:$0x3FC9]  }
0x91: {  	s18 =	sld [smem:$0x3FD0];
	(tm) =	ssettm $0x1  }
0x92: {  	s4 =	sld [smem:$0x3FFB];
	_ =	sdelay $0x3  }
0x93: {  	_ =	strace s4  }
0x94: {  	s4 =	sld [smem:$0x3FFC];
	_ =	sdelay $0x3  }
0x95: {  	_ =	strace s4  }
0x96: {  	s4 =	sld [smem:$0x3FFD];
	_ =	sdelay $0x3  }
0x97: {  	_ =	strace s4  }
0x98: {  	_ =	strace $0x8FFFFFFF  }
0x99: {  	s19 =	sld [smem:$0x3FDB];
	_ =	sdelay $0x1  }
0x9a: {  	s5 =	simm.s32 $_scs_section_size  }
0x9b: {  	s6 =	simm.s32 $_size__tile_overlayer_lowered;
	s7 =	simm.s32 $_tile_overlayer_lowered  }
0x9c: {  	s22 =	simm.s32 $0x1BFF;
	s21 =	sshll.u32 s7, $0x1;
	s4 =	sadd.s32 s5, s19  }
0x9d: {  	s8 =	simm.s32 $0x0;
	s20 =	sshll.u32 s6, $0x1;
	s6 =	sadd.s32 s21, s4  }
0x9e: {  	[timem:s8], [sflag:s22] =	dma.local [hbm:s6], s20  }
0x9f: {  	_ =	swait.ge [sflag:s22], s20  }
0xa0: {  	s5 =	ssub.s32 $0x0, s20;
	[sflag:s22] =	ssyncset.done $0x0  }
0xa1: {  	[sflag:s22] =	ssyncadd.s32 s5;
	_ =	sdelay $0x1  }
0xa2: {  	s23 =	simm.s32 $0x1B8B  }
0xa3: {  	_ =	swait.ge [sflag:s23], $0x1  }
0xa4: {  	[sflag:s23] =	ssyncset.done $0x0  }
0xa5: {  	s25 =	simm.s32 $0x1B8E;
	s24 =	sld [smem:$0x3FFE];
	[sflag:s23] =	ssyncadd.s32 $0xFFFFFFFF  }
0xa6: {  	s26 =	simm.s32 $execute0_lowered;
	[smem:$0x3FD2] =	sst s25  }
0xa7: {  	s6 =	sshll.u32 s26, $0x1;
	_ =	strace $0x80000046;
	[dreg:$0x1] =	wrdreg $0xFFFFFFFF  }
0xa8: {  	s28 =	simm.s32 $_size_execute0_lowered;
	s4 =	sadd.s32 s4, s6;
	[dreg:$0x0] =	wrdreg $0x0  }
0xa9: {  	s6 =	sshll.u32 s28, $0x1;
	[dreg:$0x2] =	wrdreg s4  }
0xaa: {  	[dreg:$0x3] =	wrdreg s6  }
0xab: {  	[dreg:$0x4] =	wrdreg $0xC0  }
0xac: {  	_ =	task [dreg:s8], $0x5FFFF  }
0xad: {  	[dreg:$0x1] =	wrdreg $0xFFFFFFFF  }
0xae: {  	[dreg:$0x0] =	wrdreg $0x60  }
0xaf: {  	[dreg:$0x2] =	wrdreg s2  }
0xb0: {  	[dreg:$0x3] =	wrdreg s24  }
0xb1: {  	[dreg:$0x4] =	wrdreg s18  }
0xb2: {  	[dreg:$0x5] =	wrdreg $0x9  }
0xb3: {  	_ =	task.clear_ibuf [dreg:s8], $0x6FFFF;
	_ =	strace $0x90000046  }
0xb4: {  	s29 =	simm.s32 $0x9;
	_ =	strace $0x80000048  }
0xb5: {  	_ =	swait.ge [sflag:s29], $0x1  }
0xb6: {  	[sflag:s29] =	ssyncadd.s32 $0xFFFFFFFF  }
0xb7: {  	_ =	strace $0x90000048  }
0xb8: {  	_ =	sfence  }
0xb9: {  	s30 =	sld [smem:$0x0];
	_ =	sdelay $0x2  }
0xba: {  	s31 =	sshll.u32 s1, $0xD;
	s1 =	sshrl.u32 s1, $0x2  }
0xbb: {  	s3 =	sand.u32 $0x4000, s31;
	s1 =	sadd.s32 s1, s30  }
0xbc: {  	s0 =	sor.u32 s3, s0;
	s1 =	sshll.u32 s1, $0x11  }
0xbd: {  	s0 =	sor.u32 s1, s0  }
0xbe: {  	s0 =	sadd.s32 $0x8F2B, s0  }
0xbf: {  	[sflag:s0] =	ssyncadd.remote.s32 $0x1  }
0xc0: {  	_ =	sfence.sel $0xFFFF  }
0xc1: {  	[dreg:$0x0] =	wrdreg $0xFFFFFFFF;
	(pc) =	sbr.abs _section_cstart, $3  }
0xc2: {  	[dreg:$0x1] =	wrdreg $0xFFFFFFFF  }
0xc3: {  	_ =	task.clear_ibuf [dreg:s8], $0x2FFFF;
	_ =	strace $0x9FFFFFFF  }
0xc4: {  	(tm) =	ssettm $0x7FFFFFFF  }
0xc5: {  	_ =	shalt  }
tec
execute0_lowered:
.L_overlay_start_1:
0x0: {  	(tag) =	ssettag $0x1  }
0x1: {  	s0 =	rddreg [dreg:$0x0]  }
0x2: {  	s1 =	rddreg [dreg:$0x1]  }
0x3: {  	s23 =	rddreg [dreg:$0x2];
	s3 =	simm.s32 $0x0  }
0x4: {  	[smem:$0x7FF] =	sst s3;
	s28 =	sadd.s32 $0x100, s23  }
0x5: {  	s7 =	sadd.s32 $0x400, s23;
	_ =	strace $0x80000047;
	[dreg:$0x5] =	wrdreg s28  }
0x6: {  	s8 =	sadd.s32 $0x500, s23;
	[dreg:$0xd] =	wrdreg s7  }
0x7: {  	s2 =	srdreg.scid;
	s9 =	sadd.s32 $0x600, s23;
	[dreg:$0xe] =	wrdreg s8  }
0x8: {  	s20 =	stileid.u32;
	s10 =	sadd.s32 $0x700, s23;
	[dreg:$0xf] =	wrdreg s9  }
0x9: {  	s29 =	simm.s32 $0x8400;
	s11 =	sadd.s32 $0x800, s23;
	[dreg:$0x10] =	wrdreg s10  }
0xa: {  	s30 =	simm.s32 $0x10400;
	s12 =	sadd.s32 $0x900, s23;
	[dreg:$0x11] =	wrdreg s11  }
0xb: {  	s31 =	simm.s32 $0x1;
	s13 =	sadd.s32 $0xA00, s23;
	[dreg:$0x12] =	wrdreg s12  }
0xc: {  	s2 =	sand.u32 $0x1, s2;
	s14 =	sadd.s32 $0xB00, s23;
	[dreg:$0x13] =	wrdreg s13  }
0xd: {  	s4 =	sshll.u32 s20, $0x1;
	s15 =	sadd.s32 $0xC00, s23;
	[dreg:$0x14] =	wrdreg s14  }
0xe: {  	s16 =	sadd.s32 $0xD00, s23;
	s17 =	sadd.s32 $0xE00, s23;
	[dreg:$0x15] =	wrdreg s15  }
0xf: {  	s18 =	sshll.u32 s20, $0x12;
	s4 =	sor.u32 s2, s4;
	[dreg:$0x16] =	wrdreg s16  }
0x10: {  	s6 =	ssub.s32 $0x2, s2;
	[dreg:$0x17] =	wrdreg s17;
	s21 =	sadd.s32 s18, s23  }
0x11: {  	s2 =	sshll.u32 s2, $0x11;
	s28 =	sadd.s32 $0xF00, s23;
	s7 =	simm.s32 $0x5  }
0x12: {  	s5 =	sshll.u32 s4, $0x7;
	s26 =	sshrl.u32 s6, $0x1;
	s4 =	sshll.u32 s4, $0x11  }
0x13: {  	[dreg:$0x18] =	wrdreg s28;
	s1 =	sadd.s32 s5, s1;
	s5 =	sadd.s32 $0x200, s23  }
0x14: {  	s19 =	ssub.s32 s6, s26;
	s6 =	sadd.s32 $0x300, s23;
	[dreg:$0x6] =	wrdreg s5  }
0x15: {  	s20 =	sadd.s32 s2, s21;
	s24 =	sadd.s32 s0, s4;
	[dreg:$0xc] =	wrdreg s6  }
0x16: {  	s22 =	sor.u32 $0x1000, s4;
	s25 =	sadd.s32 s23, s4;
	[dreg:$0x8] =	wrdreg s24  }
0x17: {  	s4 =	simm.s32 $0x4;
	s1 =	sadd.s32 $0x400, s1;
	[dreg:$0xa] =	wrdreg s25  }
0x18: {  	s5 =	smax.u32 s19, $0x1;
	s26 =	sadd.s32 s23, s22;
	[dreg:$0x4] =	wrdreg s1  }
0x19: {  	v1 =	vlaneseq.u32;
	[dreg:$0x7] =	wrdreg s5;
	s1 =	sadd.s32 s18, s0;
	s0 =	sadd.s32 s0, s22  }
0x1a: {  	v0 =	vimm.f32 $0.0e+00;
	v2 =	vshrl.u32 v1, $0x3;
	[dreg:$0xb] =	wrdreg s26;
	s5 =	simm.s32 $0x0;
	s21 =	sadd.s32 s2, s1  }
0x1b: {  	vm0 =	vmmov $0xffff;
	v1 =	vand.u32 $0x7, v1;
	v2 =	vmul.u32 $0x8, v2;
	[dreg:$0x9] =	wrdreg s0;
	s1 =	simm.s32 $0x2;
	s0 =	simm.s32 $0x3  }
.LBB2_1:
0x1c: {  	s2 =	sand.u32 $0x70, s3;
	s19 =	sand.u32 $0x7C00, s3  }
0x1d: {  	s2 =	sor.u32 s2, s19  }
0x1e: {  	[tilespmem:s2+$0x480] =	vst v0  }
0x1f: {  	[tilespmem:s2+$0x500] =	vst v0  }
0x20: {  	[dreg:$0x19] =	wrdreg s5;
	s24 =	sand.u32 $0x7, s3;
	[tilespmem:s2+$0x580] =	vst v0  }
0x21: {  	s22 =	simm.s32 $0x10;
	s23 =	simm.s32 $0x0;
	s19 =	simm.s32 $0x0;
	[tilespmem:s2+$0x600] =	vst v0  }
.LBB2_2:
0x22: {  	p0 =	sne.s32 s22, $0xFF0;
	s24 =	sshll.u32 s24, $0x4;
	[tilespmem:s2+$0x680] =	vst v0  }
0x23: {  	s24 =	sadd.s32 s24, s19;
	[tilespmem:s2+$0x700] =	vst v0;
	s19 =	sadd.s32 $0x80, s19  }
0x24: {  	s5 =	sand.u32 $0x70, s22;
	s6 =	sand.u32 $0x7C00, s19;
	[tilespmem:s2+$0x400] =	vst v0;
	s24 =	sor.u32 $0x380, s24  }
.Ltmp0:
0x25: {  	s2 =	sor.u32 s5, s6;
	[tilespmem:s24+$0x400] =	vst v0;
	(pc) =	sbr.rel @p0 .LBB2_2-.Ltmp0, $4  }
0x26: {  	[tilespmem:s2+$0x480] =	vst v0  }
0x27: {  	[tilespmem:s2+$0x500] =	vst v0  }
0x28: {  	s23 =	sadd.s32 $0x1, s23;
	[tilespmem:s2+$0x580] =	vst v0  }
0x29: {  	s22 =	sadd.s32 $0x10, s22;
	s24 =	sand.u32 $0x7, s23;
	[tilespmem:s2+$0x600] =	vst v0  }
0x2a: {  	s5 =	sshll.u32 s24, $0x4;
	[tilespmem:s2+$0x680] =	vst v0  }
0x2b: {  	[tilespmem:s2+$0x700] =	vst v0;
	s5 =	sadd.s32 s5, s19  }
0x2c: {  	[tilespmem:s2+$0x400] =	vst v0;
	s15 =	sor.u32 $0x380, s5  }
0x2d: {  	s16 =	simm.s32 $0x0;
	s17 =	rddreg [dreg:$0x4];
	[tilespmem:s15+$0x400] =	vst v0  }
0x2e: {  	[tilespmem:s16], [sflag:$0x5] =	stream.linear.gather [hbm4b:s17+s16], $0x280, $0x38;
	[tilespmem:$0x18400] =	vst v63  }
0x2f: {  	_ =	swait.ge [sflag:s7], $0x280  }
0x30: {  	[sflag:s7] =	ssyncset.done $0x0  }
0x31: {  	s18 =	rddreg [dreg:$0x8];
	[sflag:s7] =	ssyncadd.s32 $0xFFFFFD80  }
0x32: {  	[tilespmem:s29], [sflag:$0x1] =	stream.linear.gather [hbm4b:s18+s16], $0x8000, $0x38;
	[tilespmem:$0x18400] =	vst v63  }
0x33: {  	s19 =	rddreg [dreg:$0x9]  }
0x34: {  	[tilespmem:s30], [sflag:$0x2] =	stream.linear.gather [hbm4b:s19+s16], $0x8000, $0x38;
	[tilespmem:$0x18400] =	vst v63  }
0x35: {  	_ =	swait.ge [sflag:s31], $0x8000  }
0x36: {  	[sflag:s31] =	ssyncset.done $0x0  }
0x37: {  	s22 =	rddreg [dreg:$0xa];
	[sflag:s31] =	ssyncadd.s32 $0xFFFF8000  }
0x38: {  	[hbm4b:s22+s16] =	stream.linear.scatter [tilespmem:s29], [sflag:$0x3], $0x8000, $0x38;
	[tilespmem:$0x18400] =	vst v63  }
0x39: {  	_ =	swait.ge [sflag:s1], $0x8000  }
0x3a: {  	[sflag:s1] =	ssyncset.done $0x0  }
0x3b: {  	s23 =	rddreg [dreg:$0xb];
	[sflag:s1] =	ssyncadd.s32 $0xFFFF8000  }
0x3c: {  	[hbm4b:s23+s16] =	stream.linear.scatter [tilespmem:s30], [sflag:$0x4], $0x8000, $0x38;
	[tilespmem:$0x18400] =	vst v63  }
0x3d: {  	_ =	swait.ge [sflag:s0], $0x8000  }
0x3e: {  	s24 =	sadd.s32 $0x0, s21;
	[sflag:s0] =	ssyncset.done $0x0  }
0x3f: {  	s25 =	sadd.s32 $0x2000, s24;
	[sflag:s0] =	ssyncadd.s32 $0xFFFF8000  }
0x40: {  	[tilespmem:s29], [sflag:$0x1] =	stream.linear.gather [hbm4b:s25+s3], $0x8000, $0x38;
	[tilespmem:$0x18400] =	vst v63  }
0x41: {  	_ =	swait.ge [sflag:s4], $0x8000  }
0x42: {  	[sflag:s4] =	ssyncset.done $0x0  }
0x43: {  	s2 =	sadd.s32 $0x3000, s24;
	[sflag:s4] =	ssyncadd.s32 $0xFFFF8000  }
0x44: {  	[tilespmem:s30], [sflag:$0x2] =	stream.linear.gather [hbm4b:s2+s3], $0x8000, $0x38;
	[tilespmem:$0x18400] =	vst v63  }
0x45: {  	_ =	swait.ge [sflag:s31], $0x8000  }
0x46: {  	s26 =	sadd.s32 $0x0, s20;
	[sflag:s31] =	ssyncset.done $0x0  }
0x47: {  	s28 =	sadd.s32 $0x2000, s26;
	[sflag:s31] =	ssyncadd.s32 $0xFFFF8000  }
0x48: {  	[hbm4b:s28+s3] =	stream.linear.scatter [tilespmem:s29], [sflag:$0x3], $0x8000, $0x38;
	[tilespmem:$0x18400] =	vst v63  }
0x49: {  	_ =	swait.ge [sflag:s1], $0x8000  }
0x4a: {  	[sflag:s1] =	ssyncset.done $0x0  }
0x4b: {  	s19 =	sadd.s32 $0x3000, s26;
	s2 =	simm.s32 $0x2000;
	[sflag:s1] =	ssyncadd.s32 $0xFFFF8000  }
.LBB2_4:
0x4c: {  	[hbm4b:s19+s3] =	stream.linear.scatter [tilespmem:s30], [sflag:$0x4], $0x8000, $0x38;
	[tilespmem:$0x18400] =	vst v63  }
0x4d: {  	s5 =	smov.u32 s2  }
0x4e: {  	p0 =	sne.s32 s2, $0x1C000;
	s2 =	sadd.s32 $0x2000, s2;
	_ =	swait.ge [sflag:s0], $0x8000  }
0x4f: {  	s6 =	sadd.s32 s5, s21;
	[sflag:s0] =	ssyncset.done $0x0  }
0x50: {  	s19 =	sadd.s32 $0x2000, s6;
	[sflag:s0] =	ssyncadd.s32 $0xFFFF8000  }
0x51: {  	[tilespmem:s29], [sflag:$0x1] =	stream.linear.gather [hbm4b:s19+s3], $0x8000, $0x38;
	[tilespmem:$0x18400] =	vst v63  }
0x52: {  	_ =	swait.ge [sflag:s4], $0x8000  }
0x53: {  	[sflag:s4] =	ssyncset.done $0x0  }
0x54: {  	s6 =	sadd.s32 $0x3000, s6;
	[sflag:s4] =	ssyncadd.s32 $0xFFFF8000  }
0x55: {  	[tilespmem:s30], [sflag:$0x2] =	stream.linear.gather [hbm4b:s6+s3], $0x8000, $0x38;
	[tilespmem:$0x18400] =	vst v63  }
0x56: {  	_ =	swait.ge [sflag:s31], $0x8000  }
0x57: {  	s5 =	sadd.s32 s5, s20;
	[sflag:s31] =	ssyncset.done $0x0  }
.Ltmp1:
0x58: {  	s6 =	sadd.s32 $0x2000, s5;
	[sflag:s31] =	ssyncadd.s32 $0xFFFF8000;
	(pc) =	sbr.rel @p0 .LBB2_4-.Ltmp1, $4  }
0x59: {  	[hbm4b:s6+s3] =	stream.linear.scatter [tilespmem:s29], [sflag:$0x3], $0x8000, $0x38;
	[tilespmem:$0x18400] =	vst v63  }
0x5a: {  	_ =	swait.ge [sflag:s1], $0x8000  }
0x5b: {  	[sflag:s1] =	ssyncset.done $0x0  }
0x5c: {  	s19 =	sadd.s32 $0x3000, s5;
	[sflag:s1] =	ssyncadd.s32 $0xFFFF8000  }
0x5d: {  	[hbm4b:s19+s3] =	stream.linear.scatter [tilespmem:s30], [sflag:$0x4], $0x8000, $0x38;
	[tilespmem:$0x18400] =	vst v63  }
0x5e: {  	_ =	swait.ge [sflag:s0], $0x8000  }
0x5f: {  	[sflag:s0] =	ssyncset.done $0x0  }
0x60: {  	[sflag:s0] =	ssyncadd.s32 $0xFFFF8000  }
0x61: {  	_ =	swait.ge [sflag:s4], $0x8000  }
0x62: {  	[sflag:s4] =	ssyncset.done $0x0  }
0x63: {  	[sflag:s4] =	ssyncadd.s32 $0xFFFF8000  }
0x64: {  	v3 =	vld.msk [tilespmem:$0x0], $0xff;
	_ =	sdelay $0x4  }
0x65: {  	v4 =	vshll.u32 v3, $0x5  }
0x66: {  	v3 =	vand.u32 $0x7, v3;
	v4 =	vand.u32 $0xFFFFFF00, v4  }
0x67: {  	v3 =	vor.u32 v3, v4  }
0x68: {  	v3 =	vperm.xlane v3, v1;
	_ =	sdelay $0x1  }
0x69: {  	v3 =	vadd.s32 v2, v3;
	_ =	sdelay $0x3  }
0x6a: {  	s2 =	simm.s32 $0x400;
	s23 =	rddreg [dreg:$0x2]  }
0x6b: {  	[hbm4b:s23+s3] =	stream.indirect_vreg.scatter [tilespmem:s2], [sflag:$0x5], $0x80, v3, vm0, $0xb8;
	[tilespmem:$0x18400] =	vst v63  }
0x6c: {  	s6 =	simm.s32 $0xC00;
	s5 =	rddreg [dreg:$0x5]  }
0x6d: {  	[hbm4b:s5+s3] =	stream.indirect_vreg.scatter [tilespmem:s6], [sflag:$0x5], $0x80, v3, vm0, $0xb8;
	[tilespmem:$0x18400] =	vst v63  }
0x6e: {  	s8 =	simm.s32 $0x1400;
	s6 =	rddreg [dreg:$0x6]  }
0x6f: {  	[hbm4b:s6+s3] =	stream.indirect_vreg.scatter [tilespmem:s8], [sflag:$0x5], $0x80, v3, vm0, $0xb8;
	[tilespmem:$0x18400] =	vst v63  }
0x70: {  	s9 =	simm.s32 $0x1C00;
	s8 =	rddreg [dreg:$0xc]  }
0x71: {  	[hbm4b:s8+s3] =	stream.indirect_vreg.scatter [tilespmem:s9], [sflag:$0x5], $0x80, v3, vm0, $0xb8;
	[tilespmem:$0x18400] =	vst v63  }
0x72: {  	s10 =	simm.s32 $0x2400;
	s9 =	rddreg [dreg:$0xd]  }
0x73: {  	[hbm4b:s9+s3] =	stream.indirect_vreg.scatter [tilespmem:s10], [sflag:$0x5], $0x80, v3, vm0, $0xb8;
	[tilespmem:$0x18400] =	vst v63  }
0x74: {  	s11 =	simm.s32 $0x2C00;
	s10 =	rddreg [dreg:$0xe]  }
0x75: {  	[hbm4b:s10+s3] =	stream.indirect_vreg.scatter [tilespmem:s11], [sflag:$0x5], $0x80, v3, vm0, $0xb8;
	[tilespmem:$0x18400] =	vst v63  }
0x76: {  	s12 =	simm.s32 $0x3400;
	s11 =	rddreg [dreg:$0xf]  }
0x77: {  	[hbm4b:s11+s3] =	stream.indirect_vreg.scatter [tilespmem:s12], [sflag:$0x5], $0x80, v3, vm0, $0xb8;
	[tilespmem:$0x18400] =	vst v63  }
0x78: {  	s13 =	simm.s32 $0x3C00;
	s12 =	rddreg [dreg:$0x10]  }
0x79: {  	[hbm4b:s12+s3] =	stream.indirect_vreg.scatter [tilespmem:s13], [sflag:$0x5], $0x80, v3, vm0, $0xb8;
	[tilespmem:$0x18400] =	vst v63  }
0x7a: {  	s14 =	simm.s32 $0x4400;
	s13 =	rddreg [dreg:$0x11]  }
0x7b: {  	[hbm4b:s13+s3] =	stream.indirect_vreg.scatter [tilespmem:s14], [sflag:$0x5], $0x80, v3, vm0, $0xb8;
	[tilespmem:$0x18400] =	vst v63  }
0x7c: {  	s15 =	simm.s32 $0x4C00;
	s14 =	rddreg [dreg:$0x12]  }
0x7d: {  	[hbm4b:s14+s3] =	stream.indirect_vreg.scatter [tilespmem:s15], [sflag:$0x5], $0x80, v3, vm0, $0xb8;
	[tilespmem:$0x18400] =	vst v63  }
0x7e: {  	s16 =	simm.s32 $0x5400;
	s15 =	rddreg [dreg:$0x13]  }
0x7f: {  	[hbm4b:s15+s3] =	stream.indirect_vreg.scatter [tilespmem:s16], [sflag:$0x5], $0x80, v3, vm0, $0xb8;
	[tilespmem:$0x18400] =	vst v63  }
0x80: {  	s17 =	simm.s32 $0x5C00;
	s16 =	rddreg [dreg:$0x14]  }
0x81: {  	[hbm4b:s16+s3] =	stream.indirect_vreg.scatter [tilespmem:s17], [sflag:$0x5], $0x80, v3, vm0, $0xb8;
	[tilespmem:$0x18400] =	vst v63  }
0x82: {  	s18 =	simm.s32 $0x6400;
	s17 =	rddreg [dreg:$0x15]  }
0x83: {  	[hbm4b:s17+s3] =	stream.indirect_vreg.scatter [tilespmem:s18], [sflag:$0x5], $0x80, v3, vm0, $0xb8;
	[tilespmem:$0x18400] =	vst v63  }
0x84: {  	s19 =	simm.s32 $0x6C00;
	s18 =	rddreg [dreg:$0x16]  }
0x85: {  	[hbm4b:s18+s3] =	stream.indirect_vreg.scatter [tilespmem:s19], [sflag:$0x5], $0x80, v3, vm0, $0xb8;
	[tilespmem:$0x18400] =	vst v63  }
0x86: {  	s22 =	simm.s32 $0x7400;
	s26 =	rddreg [dreg:$0x17]  }
0x87: {  	[hbm4b:s26+s3] =	stream.indirect_vreg.scatter [tilespmem:s22], [sflag:$0x5], $0x80, v3, vm0, $0xb8;
	[tilespmem:$0x18400] =	vst v63  }
0x88: {  	s24 =	simm.s32 $0x7C00;
	s22 =	rddreg [dreg:$0x18]  }
0x89: {  	[hbm4b:s22+s3] =	stream.indirect_vreg.scatter [tilespmem:s24], [sflag:$0x5], $0x80, v3, vm0, $0xb8;
	[tilespmem:$0x18400] =	vst v63  }
0x8a: {  	_ =	swait.ge [sflag:s7], $0x8000  }
0x8b: {  	[sflag:s7] =	ssyncset.done $0x0  }
0x8c: {  	[sflag:s7] =	ssyncadd.s32 $0xFFFF8000  }
0x8d: {  	v3 =	vld.msk [tilespmem:$0x80], $0xff;
	_ =	sdelay $0x4  }
0x8e: {  	v60 =	vshll.u32 v3, $0x5  }
0x8f: {  	v3 =	vand.u32 $0x7, v3;
	v4 =	vand.u32 $0xFFFFFF00, v60  }
0x90: {  	v3 =	vor.u32 v3, v4  }
0x91: {  	v3 =	vperm.xlane v3, v1;
	_ =	sdelay $0x1  }
0x92: {  	v3 =	vadd.s32 v2, v3;
	_ =	sdelay $0x3  }
0x93: {  	s7 =	simm.s32 $0x400  }
0x94: {  	[hbm4b:s23+s3] =	stream.indirect_vreg.scatter [tilespmem:s7], [sflag:$0x5], $0x80, v3, vm0, $0xb8;
	[tilespmem:$0x18400] =	vst v63  }
0x95: {  	s19 =	simm.s32 $0xC00  }
0x96: {  	[hbm4b:s5+s3] =	stream.indirect_vreg.scatter [tilespmem:s19], [sflag:$0x5], $0x80, v3, vm0, $0xb8;
	[tilespmem:$0x18400] =	vst v63  }
0x97: {  	s24 =	simm.s32 $0x1400  }
0x98: {  	[hbm4b:s6+s3] =	stream.indirect_vreg.scatter [tilespmem:s24], [sflag:$0x5], $0x80, v3, vm0, $0xb8;
	[tilespmem:$0x18400] =	vst v63  }
0x99: {  	s28 =	simm.s32 $0x1C00  }
0x9a: {  	[hbm4b:s8+s3] =	stream.indirect_vreg.scatter [tilespmem:s28], [sflag:$0x5], $0x80, v3, vm0, $0xb8;
	[tilespmem:$0x18400] =	vst v63  }
0x9b: {  	s28 =	simm.s32 $0x2400  }
0x9c: {  	[hbm4b:s9+s3] =	stream.indirect_vreg.scatter [tilespmem:s28], [sflag:$0x5], $0x80, v3, vm0, $0xb8;
	[tilespmem:$0x18400] =	vst v63  }
0x9d: {  	s25 =	simm.s32 $0x2C00  }
0x9e: {  	[hbm4b:s10+s3] =	stream.indirect_vreg.scatter [tilespmem:s25], [sflag:$0x5], $0x80, v3, vm0, $0xb8;
	[tilespmem:$0x18400] =	vst v63  }
0x9f: {  	s28 =	simm.s32 $0x3400  }
0xa0: {  	[hbm4b:s11+s3] =	stream.indirect_vreg.scatter [tilespmem:s28], [sflag:$0x5], $0x80, v3, vm0, $0xb8;
	[tilespmem:$0x18400] =	vst v63  }
0xa1: {  	s28 =	simm.s32 $0x3C00  }
0xa2: {  	[hbm4b:s12+s3] =	stream.indirect_vreg.scatter [tilespmem:s28], [sflag:$0x5], $0x80, v3, vm0, $0xb8;
	[tilespmem:$0x18400] =	vst v63  }
0xa3: {  	s28 =	simm.s32 $0x4400  }
0xa4: {  	[hbm4b:s13+s3] =	stream.indirect_vreg.scatter [tilespmem:s28], [sflag:$0x5], $0x80, v3, vm0, $0xb8;
	[tilespmem:$0x18400] =	vst v63  }
0xa5: {  	s25 =	simm.s32 $0x4C00  }
0xa6: {  	[hbm4b:s14+s3] =	stream.indirect_vreg.scatter [tilespmem:s25], [sflag:$0x5], $0x80, v3, vm0, $0xb8;
	[tilespmem:$0x18400] =	vst v63  }
0xa7: {  	s28 =	simm.s32 $0x5400  }
0xa8: {  	[hbm4b:s15+s3] =	stream.indirect_vreg.scatter [tilespmem:s28], [sflag:$0x5], $0x80, v3, vm0, $0xb8;
	[tilespmem:$0x18400] =	vst v63  }
0xa9: {  	s28 =	simm.s32 $0x5C00  }
0xaa: {  	[hbm4b:s16+s3] =	stream.indirect_vreg.scatter [tilespmem:s28], [sflag:$0x5], $0x80, v3, vm0, $0xb8;
	[tilespmem:$0x18400] =	vst v63  }
0xab: {  	s28 =	simm.s32 $0x6400  }
0xac: {  	[hbm4b:s17+s3] =	stream.indirect_vreg.scatter [tilespmem:s28], [sflag:$0x5], $0x80, v3, vm0, $0xb8;
	[tilespmem:$0x18400] =	vst v63  }
0xad: {  	s28 =	simm.s32 $0x6C00  }
0xae: {  	[hbm4b:s18+s3] =	stream.indirect_vreg.scatter [tilespmem:s28], [sflag:$0x5], $0x80, v3, vm0, $0xb8;
	[tilespmem:$0x18400] =	vst v63  }
0xaf: {  	s28 =	simm.s32 $0x7400  }
0xb0: {  	[hbm4b:s26+s3] =	stream.indirect_vreg.scatter [tilespmem:s28], [sflag:$0x5], $0x80, v3, vm0, $0xb8;
	[tilespmem:$0x18400] =	vst v63  }
0xb1: {  	s2 =	simm.s32 $0x5;
	s28 =	simm.s32 $0x7C00  }
0xb2: {  	[hbm4b:s22+s3] =	stream.indirect_vreg.scatter [tilespmem:s28], [sflag:$0x5], $0x80, v3, vm0, $0xb8;
	[tilespmem:$0x18400] =	vst v63  }
0xb3: {  	_ =	swait.ge [sflag:s2], $0x8000  }
0xb4: {  	[sflag:s2] =	ssyncset.done $0x0  }
0xb5: {  	[sflag:s2] =	ssyncadd.s32 $0xFFFF8000  }
0xb6: {  	v3 =	vld.msk [tilespmem:$0x100], $0xff;
	_ =	sdelay $0x4  }
0xb7: {  	v61 =	vshll.u32 v3, $0x5  }
0xb8: {  	v3 =	vand.u32 $0x7, v3;
	v4 =	vand.u32 $0xFFFFFF00, v61  }
0xb9: {  	v3 =	vor.u32 v3, v4  }
0xba: {  	v3 =	vperm.xlane v3, v1;
	_ =	sdelay $0x1  }
0xbb: {  	v3 =	vadd.s32 v2, v3;
	_ =	sdelay $0x4  }
0xbc: {  	[hbm4b:s23+s3] =	stream.indirect_vreg.scatter [tilespmem:s7], [sflag:$0x5], $0x80, v3, vm0, $0xb8;
	[tilespmem:$0x18400] =	vst v63  }
0xbd: {  	_ = 	snop  }
0xbe: {  	[hbm4b:s5+s3] =	stream.indirect_vreg.scatter [tilespmem:s19], [sflag:$0x5], $0x80, v3, vm0, $0xb8;
	[tilespmem:$0x18400] =	vst v63  }
0xbf: {  	_ = 	snop  }
0xc0: {  	[hbm4b:s6+s3] =	stream.indirect_vreg.scatter [tilespmem:s24], [sflag:$0x5], $0x80, v3, vm0, $0xb8;
	[tilespmem:$0x18400] =	vst v63  }
0xc1: {  	s19 =	simm.s32 $0x1C00  }
0xc2: {  	[hbm4b:s8+s3] =	stream.indirect_vreg.scatter [tilespmem:s19], [sflag:$0x5], $0x80, v3, vm0, $0xb8;
	[tilespmem:$0x18400] =	vst v63  }
0xc3: {  	s28 =	simm.s32 $0x2400  }
0xc4: {  	[hbm4b:s9+s3] =	stream.indirect_vreg.scatter [tilespmem:s28], [sflag:$0x5], $0x80, v3, vm0, $0xb8;
	[tilespmem:$0x18400] =	vst v63  }
0xc5: {  	s28 =	simm.s32 $0x2C00  }
0xc6: {  	[hbm4b:s10+s3] =	stream.indirect_vreg.scatter [tilespmem:s28], [sflag:$0x5], $0x80, v3, vm0, $0xb8;
	[tilespmem:$0x18400] =	vst v63  }
0xc7: {  	s28 =	simm.s32 $0x3400  }
0xc8: {  	[hbm4b:s11+s3] =	stream.indirect_vreg.scatter [tilespmem:s28], [sflag:$0x5], $0x80, v3, vm0, $0xb8;
	[tilespmem:$0x18400] =	vst v63  }
0xc9: {  	s28 =	simm.s32 $0x3C00  }
0xca: {  	[hbm4b:s12+s3] =	stream.indirect_vreg.scatter [tilespmem:s28], [sflag:$0x5], $0x80, v3, vm0, $0xb8;
	[tilespmem:$0x18400] =	vst v63  }
0xcb: {  	s28 =	simm.s32 $0x4400  }
0xcc: {  	[hbm4b:s13+s3] =	stream.indirect_vreg.scatter [tilespmem:s28], [sflag:$0x5], $0x80, v3, vm0, $0xb8;
	[tilespmem:$0x18400] =	vst v63  }
0xcd: {  	_ = 	snop  }
0xce: {  	[hbm4b:s14+s3] =	stream.indirect_vreg.scatter [tilespmem:s25], [sflag:$0x5], $0x80, v3, vm0, $0xb8;
	[tilespmem:$0x18400] =	vst v63  }
0xcf: {  	s28 =	simm.s32 $0x5400  }
0xd0: {  	[hbm4b:s15+s3] =	stream.indirect_vreg.scatter [tilespmem:s28], [sflag:$0x5], $0x80, v3, vm0, $0xb8;
	[tilespmem:$0x18400] =	vst v63  }
0xd1: {  	s28 =	simm.s32 $0x5C00  }
0xd2: {  	[hbm4b:s16+s3] =	stream.indirect_vreg.scatter [tilespmem:s28], [sflag:$0x5], $0x80, v3, vm0, $0xb8;
	[tilespmem:$0x18400] =	vst v63  }
0xd3: {  	s28 =	simm.s32 $0x6400  }
0xd4: {  	[hbm4b:s17+s3] =	stream.indirect_vreg.scatter [tilespmem:s28], [sflag:$0x5], $0x80, v3, vm0, $0xb8;
	[tilespmem:$0x18400] =	vst v63  }
0xd5: {  	s28 =	simm.s32 $0x6C00  }
0xd6: {  	[hbm4b:s18+s3] =	stream.indirect_vreg.scatter [tilespmem:s28], [sflag:$0x5], $0x80, v3, vm0, $0xb8;
	[tilespmem:$0x18400] =	vst v63  }
0xd7: {  	s28 =	simm.s32 $0x7400  }
0xd8: {  	[hbm4b:s26+s3] =	stream.indirect_vreg.scatter [tilespmem:s28], [sflag:$0x5], $0x80, v3, vm0, $0xb8;
	[tilespmem:$0x18400] =	vst v63  }
0xd9: {  	s28 =	simm.s32 $0x7C00  }
0xda: {  	[hbm4b:s22+s3] =	stream.indirect_vreg.scatter [tilespmem:s28], [sflag:$0x5], $0x80, v3, vm0, $0xb8;
	[tilespmem:$0x18400] =	vst v63  }
0xdb: {  	_ =	swait.ge [sflag:s2], $0x8000  }
0xdc: {  	[sflag:s2] =	ssyncset.done $0x0  }
0xdd: {  	[sflag:s2] =	ssyncadd.s32 $0xFFFF8000  }
0xde: {  	v3 =	vld.msk [tilespmem:$0x180], $0xff;
	_ =	sdelay $0x4  }
0xdf: {  	v62 =	vshll.u32 v3, $0x5  }
0xe0: {  	v3 =	vand.u32 $0x7, v3;
	v4 =	vand.u32 $0xFFFFFF00, v62  }
0xe1: {  	v3 =	vor.u32 v3, v4  }
0xe2: {  	v3 =	vperm.xlane v3, v1;
	_ =	sdelay $0x1  }
0xe3: {  	v3 =	vadd.s32 v2, v3;
	_ =	sdelay $0x3  }
0xe4: {  	s28 =	simm.s32 $0x400  }
0xe5: {  	[hbm4b:s23+s3] =	stream.indirect_vreg.scatter [tilespmem:s28], [sflag:$0x5], $0x80, v3, vm0, $0xb8;
	[tilespmem:$0x18400] =	vst v63  }
0xe6: {  	s28 =	simm.s32 $0xC00  }
0xe7: {  	[hbm4b:s5+s3] =	stream.indirect_vreg.scatter [tilespmem:s28], [sflag:$0x5], $0x80, v3, vm0, $0xb8;
	[tilespmem:$0x18400] =	vst v63  }
0xe8: {  	s24 =	simm.s32 $0x1400  }
0xe9: {  	[hbm4b:s6+s3] =	stream.indirect_vreg.scatter [tilespmem:s24], [sflag:$0x5], $0x80, v3, vm0, $0xb8;
	[tilespmem:$0x18400] =	vst v63  }
0xea: {  	s7 =	simm.s32 $0x1C00  }
0xeb: {  	[hbm4b:s8+s3] =	stream.indirect_vreg.scatter [tilespmem:s7], [sflag:$0x5], $0x80, v3, vm0, $0xb8;
	[tilespmem:$0x18400] =	vst v63  }
0xec: {  	s19 =	simm.s32 $0x2400  }
0xed: {  	[hbm4b:s9+s3] =	stream.indirect_vreg.scatter [tilespmem:s19], [sflag:$0x5], $0x80, v3, vm0, $0xb8;
	[tilespmem:$0x18400] =	vst v63  }
0xee: {  	s23 =	simm.s32 $0x2C00  }
0xef: {  	[hbm4b:s10+s3] =	stream.indirect_vreg.scatter [tilespmem:s23], [sflag:$0x5], $0x80, v3, vm0, $0xb8;
	[tilespmem:$0x18400] =	vst v63  }
0xf0: {  	s24 =	simm.s32 $0x3400  }
0xf1: {  	[hbm4b:s11+s3] =	stream.indirect_vreg.scatter [tilespmem:s24], [sflag:$0x5], $0x80, v3, vm0, $0xb8;
	[tilespmem:$0x18400] =	vst v63  }
0xf2: {  	s28 =	simm.s32 $0x3C00  }
0xf3: {  	[hbm4b:s12+s3] =	stream.indirect_vreg.scatter [tilespmem:s28], [sflag:$0x5], $0x80, v3, vm0, $0xb8;
	[tilespmem:$0x18400] =	vst v63  }
0xf4: {  	s7 =	simm.s32 $0x4400  }
0xf5: {  	[hbm4b:s13+s3] =	stream.indirect_vreg.scatter [tilespmem:s7], [sflag:$0x5], $0x80, v3, vm0, $0xb8;
	[tilespmem:$0x18400] =	vst v63  }
0xf6: {  	s7 =	simm.s32 $0x4C00  }
0xf7: {  	[hbm4b:s14+s3] =	stream.indirect_vreg.scatter [tilespmem:s7], [sflag:$0x5], $0x80, v3, vm0, $0xb8;
	[tilespmem:$0x18400] =	vst v63  }
0xf8: {  	s7 =	simm.s32 $0x5400  }
0xf9: {  	[hbm4b:s15+s3] =	stream.indirect_vreg.scatter [tilespmem:s7], [sflag:$0x5], $0x80, v3, vm0, $0xb8;
	[tilespmem:$0x18400] =	vst v63  }
0xfa: {  	s25 =	simm.s32 $0x5C00  }
0xfb: {  	[hbm4b:s16+s3] =	stream.indirect_vreg.scatter [tilespmem:s25], [sflag:$0x5], $0x80, v3, vm0, $0xb8;
	[tilespmem:$0x18400] =	vst v63  }
0xfc: {  	s7 =	simm.s32 $0x6400  }
0xfd: {  	[hbm4b:s17+s3] =	stream.indirect_vreg.scatter [tilespmem:s7], [sflag:$0x5], $0x80, v3, vm0, $0xb8;
	[tilespmem:$0x18400] =	vst v63  }
0xfe: {  	s7 =	simm.s32 $0x6C00  }
0xff: {  	[hbm4b:s18+s3] =	stream.indirect_vreg.scatter [tilespmem:s7], [sflag:$0x5], $0x80, v3, vm0, $0xb8;
	[tilespmem:$0x18400] =	vst v63  }
0x100: {  	s7 =	simm.s32 $0x7400  }
0x101: {  	[hbm4b:s26+s3] =	stream.indirect_vreg.scatter [tilespmem:s7], [sflag:$0x5], $0x80, v3, vm0, $0xb8;
	[tilespmem:$0x18400] =	vst v63  }
0x102: {  	s7 =	simm.s32 $0x7C00  }
0x103: {  	[hbm4b:s22+s3] =	stream.indirect_vreg.scatter [tilespmem:s7], [sflag:$0x5], $0x80, v3, vm0, $0xb8;
	[tilespmem:$0x18400] =	vst v63  }
0x104: {  	_ =	swait.ge [sflag:s2], $0x8000  }
0x105: {  	[sflag:s2] =	ssyncset.done $0x0  }
0x106: {  	[sflag:s2] =	ssyncadd.s32 $0xFFFF8000  }
0x107: {  	v3 =	vld.msk [tilespmem:$0x200], $0xff;
	_ =	sdelay $0x4  }
0x108: {  	v63 =	vshll.u32 v3, $0x5  }
0x109: {  	v3 =	vand.u32 $0x7, v3;
	v4 =	vand.u32 $0xFFFFFF00, v63  }
0x10a: {  	v3 =	vor.u32 v3, v4  }
0x10b: {  	v3 =	vperm.xlane v3, v1;
	_ =	sdelay $0x1  }
0x10c: {  	v3 =	vadd.s32 v2, v3;
	_ =	sdelay $0x3  }
0x10d: {  	s2 =	simm.s32 $0x400;
	s7 =	rddreg [dreg:$0x2]  }
0x10e: {  	[hbm4b:s7+s3] =	stream.indirect_vreg.scatter [tilespmem:s2], [sflag:$0x5], $0x80, v3, vm0, $0xb8;
	[tilespmem:$0x18400] =	vst v63  }
0x10f: {  	s7 =	simm.s32 $0xC00  }
0x110: {  	[hbm4b:s5+s3] =	stream.indirect_vreg.scatter [tilespmem:s7], [sflag:$0x5], $0x80, v3, vm0, $0xb8;
	[tilespmem:$0x18400] =	vst v63  }
0x111: {  	s5 =	simm.s32 $0x1400  }
0x112: {  	[hbm4b:s6+s3] =	stream.indirect_vreg.scatter [tilespmem:s5], [sflag:$0x5], $0x80, v3, vm0, $0xb8;
	[tilespmem:$0x18400] =	vst v63  }
0x113: {  	s7 =	simm.s32 $0x1C00  }
0x114: {  	[hbm4b:s8+s3] =	stream.indirect_vreg.scatter [tilespmem:s7], [sflag:$0x5], $0x80, v3, vm0, $0xb8;
	[tilespmem:$0x18400] =	vst v63  }
0x115: {  	s19 =	simm.s32 $0x2400  }
0x116: {  	[hbm4b:s9+s3] =	stream.indirect_vreg.scatter [tilespmem:s19], [sflag:$0x5], $0x80, v3, vm0, $0xb8;
	[tilespmem:$0x18400] =	vst v63  }
0x117: {  	s9 =	simm.s32 $0x2C00  }
0x118: {  	[hbm4b:s10+s3] =	stream.indirect_vreg.scatter [tilespmem:s9], [sflag:$0x5], $0x80, v3, vm0, $0xb8;
	[tilespmem:$0x18400] =	vst v63  }
0x119: {  	s23 =	simm.s32 $0x3400  }
0x11a: {  	[hbm4b:s11+s3] =	stream.indirect_vreg.scatter [tilespmem:s23], [sflag:$0x5], $0x80, v3, vm0, $0xb8;
	[tilespmem:$0x18400] =	vst v63  }
0x11b: {  	s24 =	simm.s32 $0x3C00  }
0x11c: {  	[hbm4b:s12+s3] =	stream.indirect_vreg.scatter [tilespmem:s24], [sflag:$0x5], $0x80, v3, vm0, $0xb8;
	[tilespmem:$0x18400] =	vst v63  }
0x11d: {  	s28 =	simm.s32 $0x4400  }
0x11e: {  	[hbm4b:s13+s3] =	stream.indirect_vreg.scatter [tilespmem:s28], [sflag:$0x5], $0x80, v3, vm0, $0xb8;
	[tilespmem:$0x18400] =	vst v63  }
0x11f: {  	s13 =	simm.s32 $0x4C00  }
0x120: {  	[hbm4b:s14+s3] =	stream.indirect_vreg.scatter [tilespmem:s13], [sflag:$0x5], $0x80, v3, vm0, $0xb8;
	[tilespmem:$0x18400] =	vst v63  }
0x121: {  	s14 =	simm.s32 $0x5400  }
0x122: {  	[hbm4b:s15+s3] =	stream.indirect_vreg.scatter [tilespmem:s14], [sflag:$0x5], $0x80, v3, vm0, $0xb8;
	[tilespmem:$0x18400] =	vst v63  }
0x123: {  	s25 =	simm.s32 $0x5C00  }
0x124: {  	[hbm4b:s16+s3] =	stream.indirect_vreg.scatter [tilespmem:s25], [sflag:$0x5], $0x80, v3, vm0, $0xb8;
	[tilespmem:$0x18400] =	vst v63  }
0x125: {  	s19 =	simm.s32 $0x6400  }
0x126: {  	[hbm4b:s17+s3] =	stream.indirect_vreg.scatter [tilespmem:s19], [sflag:$0x5], $0x80, v3, vm0, $0xb8;
	[tilespmem:$0x18400] =	vst v63  }
0x127: {  	s23 =	simm.s32 $0x6C00  }
0x128: {  	[hbm4b:s18+s3] =	stream.indirect_vreg.scatter [tilespmem:s23], [sflag:$0x5], $0x80, v3, vm0, $0xb8;
	[tilespmem:$0x18400] =	vst v63  }
0x129: {  	s24 =	simm.s32 $0x7400  }
0x12a: {  	[hbm4b:s26+s3] =	stream.indirect_vreg.scatter [tilespmem:s24], [sflag:$0x5], $0x80, v3, vm0, $0xb8;
	[tilespmem:$0x18400] =	vst v63  }
0x12b: {  	s7 =	simm.s32 $0x5;
	s25 =	simm.s32 $0x7C00  }
0x12c: {  	[hbm4b:s22+s3] =	stream.indirect_vreg.scatter [tilespmem:s25], [sflag:$0x5], $0x80, v3, vm0, $0xb8;
	[tilespmem:$0x18400] =	vst v63  }
0x12d: {  	_ =	swait.ge [sflag:s7], $0x8000  }
0x12e: {  	s26 =	rddreg [dreg:$0x19]  }
0x12f: {  	s28 =	rddreg [dreg:$0x7];
	s5 =	sadd.s32 $0x1, s26  }
0x130: {  	p0 =	sne.s32 s5, s28  }
.Ltmp2:
0x131: {  	_ = 	snop;
	(pc) =	sbr.rel @p0 .LBB2_1-.Ltmp2, $3  }
0x132: {  	_ =	sdelay $0x1  }
0x133: {  	[sflag:s7] =	ssyncset.done $0x0  }
0x134: {  	[sflag:s7] =	ssyncadd.s32 $0xFFFF8000  }
0x135: {  	_ =	sfence.sel $0x180000  }
0x136: {  	[bflag:$0x0] =	sbarrier.arrive $0xFFFF  }
0x137: {  	_ =	strace $0x90000047  }
0x138: {  	s0 =	stileid.u32;
	[bflag:$0x2] =	sbarrier.arrive $0xFFFF  }
0x139: {  	p0 =	sne.s32 s0, $0x0;
	s0 =	rddreg [dreg:$0x3]  }
0x13a: {  	s0 =	sadd.s32 @!p0 $0x100000, s0  }
0x13b: {  	[sflag:s0] =	ssyncadd.tile.s32 @!p0 $0x1;
	_ =	shalt  }
.Lfunc_end2:
_tile_overlayer_lowered:
.L_overlay_start_2:
0x13c: {  	(tag) =	ssettag $0x2  }
0x13d: {  	s0 =	rddreg [dreg:$0x0];
	s2 =	stileid.u32  }
0x13e: {  	s1 =	rddreg [dreg:$0x1];
	p0 =	sne.s32 s2, $0x0  }
0x13f: {  	s3 =	rddreg [dreg:$0x2];
	[bflag:$0x3] =	sbarrier.arrive $0xFFFF;
	s2 =	simm.s32 @!p0 $0x1C05  }
0x140: {  	[timem:s3], [sflag:s2] =	dma.local @!p0 [hbm:s0], s1  }
0x141: {  	s0 =	simm.s32 @!p0 $0x5  }
0x142: {  	_ =	swait.ge @!p0 [sflag:s0], s1  }
0x143: {  	s1 =	ssub.s32 @!p0 $0x0, s1;
	[sflag:s0] =	ssyncset.done @!p0 $0x0  }
0x144: {  	[sflag:s0] =	ssyncadd.s32 @!p0 s1  }
0x145: {  	[bflag:$0x3] =	sbarrier.arrive $0xFFFF  }
0x146: {  	_ =	shalt  }

</sc_bundles>
